<compile_context>
chip_gen: v7x
topology: tpu7x:2x2x1
jax: 0.10.2.dev20260603
libtpu: 0.0.44.dev20260713+nightly
codegen_flags: <defaults>
</compile_context>

<pallas_src>
import functools

import jax
import jax.numpy as jnp
from jax import lax
from jax.experimental import pallas as pl
from jax.experimental.pallas import tpu as pltpu
from jax.experimental.pallas import tpu_sc as plsc

H = 4096
W = 4096
P = 512
NW = 32


def _stitch_body(pt_hbm, ot_hbm):
    cid = lax.axis_index("c")
    sid = lax.axis_index("s")
    wid = sid * 2 + cid

    def run_variant(nslots, ntr, ntc, nl, decode):
        trips = (nslots + NW - 1) // NW

        def scoped(buf):
            def trip(t, carry):
                j = wid + NW * t
                valid, p, ab, gt0, stc, sl0, dtc, dl0 = decode(j)
                a0 = p * 64 + ab

                @pl.when(jnp.logical_and(j < nslots, valid))
                def _():
                    pltpu.sync_copy(
                        pt_hbm.at[
                            pl.ds(a0, ntr), pl.ds(stc, ntc), :, pl.ds(sl0, nl)
                        ],
                        buf,
                    )
                    pltpu.sync_copy(
                        buf,
                        ot_hbm.at[
                            pl.ds(gt0, ntr), pl.ds(dtc, ntc), :, pl.ds(dl0, nl)
                        ],
                    )

                return carry

            lax.fori_loop(0, trips, trip, 0, unroll=False)

        pl.run_scoped(scoped, pltpu.VMEM((ntr, ntc, 8, nl), jnp.float32))

    def interior_rows(j):
        band = j >> 5
        chunk = j & 3
        iy = band + 1
        gt0 = 56 * iy + 4 + 14 * chunk
        ab = 4 + 14 * chunk
        return band < 7, iy, gt0, ab

    def edge_rows(j):
        bb = (j >> 5) & 1
        chunk = j & 3
        iy = 8 * bb
        gt0 = 452 * bb + 15 * chunk
        ab = 4 * bb + 15 * chunk
        return j >= 0, iy, gt0, ab

    def dec_a(rows):
        def d(j):
            rv, iy, gt0, ab = rows(j)
            which = (j >> 4) & 1
            ixo = (j >> 2) & 3
            ix = 2 * ixo + 1
            k = (7 * ix - 1) >> 1
            p = iy * 9 + ix
            return rv, p, ab, gt0, which, 64 - 64 * which, k + 1, 64 * which

        return d

    def dec_b(rows):
        def d(j):
            rv, iy, gt0, ab = rows(j)
            which = (j >> 4) & 1
            ixo = (j >> 2) & 3
            ix = 2 * ixo + 1
            k = (7 * ix - 1) >> 1
            p = iy * 9 + ix
            return (
                rv,
                p,
                ab,
                gt0,
                3 - 3 * which,
                64 - 32 * which,
                k + 4 - 4 * which,
                96 * which,
            )

        return d

    def dec_c(rows):
        def d(j):
            rv, iy, gt0, ab = rows(j)
            which = (j >> 4) & 1
            ixo = (j >> 2) & 3
            ix = 2 * ixo + 2 - 2 * which
            p = iy * 9 + ix
            return (
                rv,
                p,
                ab,
                gt0,
                3 * which,
                32 - 32 * which,
                7 * ixo + 7 - 4 * which,
                32 - 32 * which,
            )

        return d

    def dec_d(rows):
        def d(j):
            rv, iy, gt0, ab = rows(j)
            ixo = (j >> 2) & 3
            ix = 2 * ixo + 2
            p = iy * 9 + ix
            return jnp.logical_and(rv, ixo < 3), p, ab, gt0, 1, 0, 7 * ixo + 8, 0

        return d

    def dec_e(rows):
        def d(j):
            rv, iy, gt0, ab = rows(j)
            which = (j >> 2) & 1
            p = iy * 9 + 8 * which
            return rv, p, ab, gt0, which, 0, 29 * which, 0

        return d

    run_variant(256, 14, 3, 64, dec_a(interior_rows))
    run_variant(256, 14, 1, 32, dec_b(interior_rows))
    run_variant(256, 14, 1, 96, dec_c(interior_rows))
    run_variant(128, 14, 2, 128, dec_d(lambda j: interior_rows(((j >> 4) << 5) | (j & 15))))
    run_variant(64, 14, 3, 128, dec_e(lambda j: interior_rows(((j >> 3) << 5) | (j & 7))))
    run_variant(64, 15, 3, 64, dec_a(edge_rows))
    run_variant(64, 15, 1, 32, dec_b(edge_rows))
    run_variant(64, 15, 1, 96, dec_c(edge_rows))
    run_variant(32, 15, 2, 128, dec_d(lambda j: edge_rows(((j >> 4) << 5) | (j & 15))))
    run_variant(16, 15, 3, 128, dec_e(lambda j: edge_rows(((j >> 3) << 5) | (j & 7))))


_stitch = functools.partial(
    pl.kernel,
    out_type=jax.ShapeDtypeStruct((512, 32, 8, 128), jnp.float32),
    mesh=plsc.VectorSubcoreMesh(core_axis_name="c", subcore_axis_name="s"),
    compiler_params=pltpu.CompilerParams(use_tc_tiling_on_sc=False),
)(_stitch_body)


@jax.jit
def kernel(patches, output):
    del output
    pt = (
        patches.reshape(81, 64, 8, 4, 128)
        .transpose(0, 1, 3, 2, 4)
        .reshape(5184, 4, 8, 128)
    )
    ot = _stitch(pt)
    img = ot.transpose(0, 2, 1, 3).reshape(4096, 4096)
    return img.reshape(1, 1, H, W)

# --- scband reference (transcript-rebuilt; emitter-appended) ---
"""Pipeline reference for scband-segmentation-model-torch-script-16406775071117 (READ-ONLY COPY).

The authoritative reference and input builder live on the scoring server;
editing this copy changes nothing except your own understanding.
"""

import jax, jax.numpy as jnp
import numpy as np

H = 4096
W = 4096
PATCH = 512
SLACK = 64  # max(512 // 8, 32)


def _grid():
    # replicates grid_for_patches
    step = PATCH - SLACK
    gy = np.arange(PATCH, H + step, step)
    gx = np.arange(PATCH, W + step, step)
    gy = np.minimum(gy, H)
    gx = np.minimum(gx, W)
    gyy, gxx = np.meshgrid(gy, gx, indexing='ij')
    grid = np.stack([gyy, gxx], axis=-1)
    grid = np.concatenate([grid - PATCH, grid], axis=-1)
    grid = np.maximum(0, grid)
    return grid


def _crops(grid):
    # replicates the d0/d1 crop computation in paste_patch
    gh, gw = grid.shape[0], grid.shape[1]
    hs = SLACK // 2
    last_hs = (grid[gh - 2, gw - 2, 2:4] - grid[-1, -1, 0:2]) // 2
    crop_top = np.concatenate([[0], np.full(gh - 2, hs, dtype=np.int64), [int(last_hs[0])]])
    crop_left = np.concatenate([[0], np.full(gw - 2, hs, dtype=np.int64), [int(last_hs[1])]])
    crop_bottom = np.concatenate([np.full(gh - 1, -hs, dtype=np.int64), [H]])
    crop_right = np.concatenate([np.full(gw - 1, -hs, dtype=np.int64), [W]])
    return crop_top, crop_left, crop_bottom, crop_right


def setup_inputs(seed: int = 0) -> dict:
    key = jax.random.key(seed)
    k1 = jax.random.fold_in(key, 1)
    patches = jax.random.normal(k1, (81, 1, PATCH, PATCH), dtype=jnp.float32)
    output = jnp.zeros((1, 1, H, W), dtype=jnp.float32)
    return {"patches": patches, "output": output}


def reference(patches, output):
    # stitch_overlapping_patches: loop of paste_patch scatter-overwrites
    grid = _grid()
    ct, cl, cb, cr = _crops(grid)
    gh, gw = grid.shape[0], grid.shape[1]
    out = output
    for i in range(gh * gw):
        iy, ix = divmod(i, gw)
        g = grid[iy, ix]
        py0 = int(ct[iy]); px0 = int(cl[ix])
        py1 = PATCH + int(cb[iy]) if cb[iy] < 0 else PATCH
        px1 = PATCH + int(cr[ix]) if cr[ix] < 0 else PATCH
        y0 = int(g[0]) + int(ct[iy]); x0 = int(g[1]) + int(cl[ix])
        y1 = int(g[2]) + int(cb[iy]) if cb[iy] < 0 else H
        x1 = int(g[3]) + int(cr[ix]) if cr[ix] < 0 else W
        out = out.at[:, :, y0:y1, x0:x1].set(patches[i, :, py0:py1, px0:px1][None])
    return out

if __name__ == "__main__":
    import jax
    _d = setup_inputs()
    print(jax.jit(kernel)(*tuple(_d.values())))

</pallas_src>

<mosaic_0001>
#map = affine_map<(d0, d1) -> (0, 0, 0, 0)>
module attributes {stable_mosaic.version = 14 : i64} {
  func.func @_stitch_body(%arg0: i32, %arg1: i32, %arg2: memref<5184x4x8x128xf32, #tpu.memory_space<hbm>>, %arg3: memref<512x32x8x128xf32, #tpu.memory_space<hbm>>) attributes {dimension_semantics = [#tpu.dimension_semantics<core_parallel>, #tpu.dimension_semantics<subcore_parallel>], iteration_bounds = array<i64: 2, 16>, scalar_prefetch = 0 : i64, scratch_operands = 0 : i64, tpu.core_type = #tpu.core_type<sc_vector_subcore>, window_params = [{transform_indices = #map}, {transform_indices = #map}]} {
    %mul3A = arith.constant 2 : i32
    %mul3A_0 = arith.muli %arg1, %mul3A : i32
    %add3A = arith.addi %mul3A_0, %arg0 : i32
    "tpu.region"() ({
      %run_scoped3A = memref.alloca() : memref<14x3x8x64xf32, #tpu.memory_space<vmem>>
      %scan3A = arith.constant 0 : i32
      %scan3A_1 = arith.constant 0 : i32
      %scan3A_2 = arith.constant 8 : i32
      %scan3A_3 = arith.addi %scan3A_1, %scan3A_2 : i32
      %scan3A_4 = arith.constant 1 : i32
      scf.for %scan3A_6 = %scan3A_1 to %scan3A_3 step %scan3A_4  : i32 {
        %mul3A_7 = arith.constant 32 : i32
        %mul3A_8 = arith.muli %mul3A_7, %scan3A_6 : i32
        %add3A_9 = arith.addi %add3A, %mul3A_8 : i32
        %shift_right_arithmetic3A = arith.constant 5 : i32
        %shift_right_arithmetic3A_10 = arith.shrsi %add3A_9, %shift_right_arithmetic3A : i32
        %and3A = arith.constant 3 : i32
        %and3A_11 = arith.andi %add3A_9, %and3A : i32
        %add3A_12 = arith.constant 1 : i32
        %add3A_13 = arith.addi %shift_right_arithmetic3A_10, %add3A_12 : i32
        %mul3A_14 = arith.constant 56 : i32
        %mul3A_15 = arith.muli %mul3A_14, %add3A_13 : i32
        %add3A_16 = arith.constant 4 : i32
        %add3A_17 = arith.addi %mul3A_15, %add3A_16 : i32
        %mul3A_18 = arith.constant 14 : i32
        %mul3A_19 = arith.muli %mul3A_18, %and3A_11 : i32
        %add3A_20 = arith.addi %add3A_17, %mul3A_19 : i32
        %mul3A_21 = arith.constant 14 : i32
        %mul3A_22 = arith.muli %mul3A_21, %and3A_11 : i32
        %add3A_23 = arith.constant 4 : i32
        %add3A_24 = arith.addi %add3A_23, %mul3A_22 : i32
        %lt3A = arith.constant 7 : i32
        %lt3A_25 = arith.cmpi slt, %shift_right_arithmetic3A_10, %lt3A : i32
        %shift_right_arithmetic3A_26 = arith.constant 4 : i32
        %shift_right_arithmetic3A_27 = arith.shrsi %add3A_9, %shift_right_arithmetic3A_26 : i32
        %and3A_28 = arith.constant 1 : i32
        %and3A_29 = arith.andi %shift_right_arithmetic3A_27, %and3A_28 : i32
        %shift_right_arithmetic3A_30 = arith.constant 2 : i32
        %shift_right_arithmetic3A_31 = arith.shrsi %add3A_9, %shift_right_arithmetic3A_30 : i32
        %and3A_32 = arith.constant 3 : i32
        %and3A_33 = arith.andi %shift_right_arithmetic3A_31, %and3A_32 : i32
        %mul3A_34 = arith.constant 2 : i32
        %mul3A_35 = arith.muli %mul3A_34, %and3A_33 : i32
        %add3A_36 = arith.constant 1 : i32
        %add3A_37 = arith.addi %mul3A_35, %add3A_36 : i32
        %mul3A_38 = arith.constant 7 : i32
        %mul3A_39 = arith.muli %mul3A_38, %add3A_37 : i32
        %sub3A = arith.constant 1 : i32
        %sub3A_40 = arith.subi %mul3A_39, %sub3A : i32
        %shift_right_arithmetic3A_41 = arith.constant 1 : i32
        %shift_right_arithmetic3A_42 = arith.shrsi %sub3A_40, %shift_right_arithmetic3A_41 : i32
        %mul3A_43 = arith.constant 9 : i32
        %mul3A_44 = arith.muli %add3A_13, %mul3A_43 : i32
        %add3A_45 = arith.addi %mul3A_44, %add3A_37 : i32
        %mul3A_46 = arith.constant 64 : i32
        %mul3A_47 = arith.muli %mul3A_46, %and3A_29 : i32
        %sub3A_48 = arith.constant 64 : i32
        %sub3A_49 = arith.subi %sub3A_48, %mul3A_47 : i32
        %add3A_50 = arith.constant 1 : i32
        %add3A_51 = arith.addi %shift_right_arithmetic3A_42, %add3A_50 : i32
        %mul3A_52 = arith.constant 64 : i32
        %mul3A_53 = arith.muli %mul3A_52, %and3A_29 : i32
        %mul3A_54 = arith.constant 64 : i32
        %mul3A_55 = arith.muli %add3A_45, %mul3A_54 : i32
        %add3A_56 = arith.addi %mul3A_55, %add3A_24 : i32
        %lt3A_57 = arith.constant 256 : i32
        %lt3A_58 = arith.cmpi slt, %add3A_9, %lt3A_57 : i32
        %and3A_59 = arith.andi %lt3A_58, %lt3A_25 : i1
        %convert_element_type3A = arith.extui %and3A_59 : i1 to i32
        %cond3A = arith.constant 0 : i32
        %cond3A_60 = arith.cmpi ne, %convert_element_type3A, %cond3A : i32
        scf.if %cond3A_60 {
          "tpu.region"() ({
            %run_scoped3A_61 = tpu.sem_alloc : memref<!tpu.dma_semaphore, #tpu.memory_space<semaphore_mem>>
            %dma_start3A = arith.constant 0 : i32
            %dma_start3A_62 = tpu.memref_slice %arg2[%add3A_56, %and3A_29, %dma_start3A, %sub3A_49] : memref<5184x4x8x128xf32, #tpu.memory_space<hbm>> -> memref<14x3x8x64xf32, #tpu.memory_space<hbm>>
            %dma_start3A_63 = arith.constant 0 : i32
            %dma_start3A_64 = tpu.memref_slice %arg2[%add3A_56, %and3A_29, %dma_start3A_63, %sub3A_49] : memref<5184x4x8x128xf32, #tpu.memory_space<hbm>> -> memref<14x3x8x64xf32, #tpu.memory_space<hbm>>
            tpu.enqueue_dma source(%dma_start3A_64 : memref<14x3x8x64xf32, #tpu.memory_space<hbm>>) target(%run_scoped3A : memref<14x3x8x64xf32, #tpu.memory_space<vmem>>) target_semaphore(%run_scoped3A_61 : memref<!tpu.dma_semaphore, #tpu.memory_space<semaphore_mem>>)
            %dma_wait3A = arith.constant 0 : i32
            %dma_wait3A_65 = tpu.memref_slice %arg2[%add3A_56, %and3A_29, %dma_wait3A, %sub3A_49] : memref<5184x4x8x128xf32, #tpu.memory_space<hbm>> -> memref<14x3x8x64xf32, #tpu.memory_space<hbm>>
            %dma_wait3A_66 = arith.constant 0 : i32
            %dma_wait3A_67 = tpu.memref_slice %arg2[%add3A_56, %and3A_29, %dma_wait3A_66, %sub3A_49] : memref<5184x4x8x128xf32, #tpu.memory_space<hbm>> -> memref<14x3x8x64xf32, #tpu.memory_space<hbm>>
            tpu.wait_dma2 semaphore(%run_scoped3A_61 : memref<!tpu.dma_semaphore, #tpu.memory_space<semaphore_mem>>) src(%dma_wait3A_67 : memref<14x3x8x64xf32, #tpu.memory_space<hbm>>) dst(%run_scoped3A : memref<14x3x8x64xf32, #tpu.memory_space<vmem>>)
            tpu.yield
          }) : () -> ()
          "tpu.region"() ({
            %run_scoped3A_61 = tpu.sem_alloc : memref<!tpu.dma_semaphore, #tpu.memory_space<semaphore_mem>>
            %dma_start3A = arith.constant 0 : i32
            %dma_start3A_62 = tpu.memref_slice %arg3[%add3A_20, %add3A_51, %dma_start3A, %mul3A_53] : memref<512x32x8x128xf32, #tpu.memory_space<hbm>> -> memref<14x3x8x64xf32, #tpu.memory_space<hbm>>
            %dma_start3A_63 = arith.constant 0 : i32
            %dma_start3A_64 = tpu.memref_slice %arg3[%add3A_20, %add3A_51, %dma_start3A_63, %mul3A_53] : memref<512x32x8x128xf32, #tpu.memory_space<hbm>> -> memref<14x3x8x64xf32, #tpu.memory_space<hbm>>
            tpu.enqueue_dma source(%run_scoped3A : memref<14x3x8x64xf32, #tpu.memory_space<vmem>>) target(%dma_start3A_64 : memref<14x3x8x64xf32, #tpu.memory_space<hbm>>) target_semaphore(%run_scoped3A_61 : memref<!tpu.dma_semaphore, #tpu.memory_space<semaphore_mem>>)
            %dma_wait3A = arith.constant 0 : i32
            %dma_wait3A_65 = tpu.memref_slice %arg3[%add3A_20, %add3A_51, %dma_wait3A, %mul3A_53] : memref<512x32x8x128xf32, #tpu.memory_space<hbm>> -> memref<14x3x8x64xf32, #tpu.memory_space<hbm>>
            %dma_wait3A_66 = arith.constant 0 : i32
            %dma_wait3A_67 = tpu.memref_slice %arg3[%add3A_20, %add3A_51, %dma_wait3A_66, %mul3A_53] : memref<512x32x8x128xf32, #tpu.memory_space<hbm>> -> memref<14x3x8x64xf32, #tpu.memory_space<hbm>>
            tpu.wait_dma2 semaphore(%run_scoped3A_61 : memref<!tpu.dma_semaphore, #tpu.memory_space<semaphore_mem>>) src(%run_scoped3A : memref<14x3x8x64xf32, #tpu.memory_space<vmem>>) dst(%dma_wait3A_67 : memref<14x3x8x64xf32, #tpu.memory_space<hbm>>)
            tpu.yield
          }) : () -> ()
        } else {
        }
      }
      %scan3A_5 = arith.constant 8 : i32
      tpu.yield
    }) : () -> ()
    "tpu.region"() ({
      %run_scoped3A = memref.alloca() : memref<14x1x8x32xf32, #tpu.memory_space<vmem>>
      %scan3A = arith.constant 0 : i32
      %scan3A_1 = arith.constant 0 : i32
      %scan3A_2 = arith.constant 8 : i32
      %scan3A_3 = arith.addi %scan3A_1, %scan3A_2 : i32
      %scan3A_4 = arith.constant 1 : i32
      scf.for %scan3A_6 = %scan3A_1 to %scan3A_3 step %scan3A_4  : i32 {
        %mul3A_7 = arith.constant 32 : i32
        %mul3A_8 = arith.muli %mul3A_7, %scan3A_6 : i32
        %add3A_9 = arith.addi %add3A, %mul3A_8 : i32
        %shift_right_arithmetic3A = arith.constant 5 : i32
        %shift_right_arithmetic3A_10 = arith.shrsi %add3A_9, %shift_right_arithmetic3A : i32
        %and3A = arith.constant 3 : i32
        %and3A_11 = arith.andi %add3A_9, %and3A : i32
        %add3A_12 = arith.constant 1 : i32
        %add3A_13 = arith.addi %shift_right_arithmetic3A_10, %add3A_12 : i32
        %mul3A_14 = arith.constant 56 : i32
        %mul3A_15 = arith.muli %mul3A_14, %add3A_13 : i32
        %add3A_16 = arith.constant 4 : i32
        %add3A_17 = arith.addi %mul3A_15, %add3A_16 : i32
        %mul3A_18 = arith.constant 14 : i32
        %mul3A_19 = arith.muli %mul3A_18, %and3A_11 : i32
        %add3A_20 = arith.addi %add3A_17, %mul3A_19 : i32
        %mul3A_21 = arith.constant 14 : i32
        %mul3A_22 = arith.muli %mul3A_21, %and3A_11 : i32
        %add3A_23 = arith.constant 4 : i32
        %add3A_24 = arith.addi %add3A_23, %mul3A_22 : i32
        %lt3A = arith.constant 7 : i32
        %lt3A_25 = arith.cmpi slt, %shift_right_arithmetic3A_10, %lt3A : i32
        %shift_right_arithmetic3A_26 = arith.constant 4 : i32
        %shift_right_arithmetic3A_27 = arith.shrsi %add3A_9, %shift_right_arithmetic3A_26 : i32
        %and3A_28 = arith.constant 1 : i32
        %and3A_29 = arith.andi %shift_right_arithmetic3A_27, %and3A_28 : i32
        %shift_right_arithmetic3A_30 = arith.constant 2 : i32
        %shift_right_arithmetic3A_31 = arith.shrsi %add3A_9, %shift_right_arithmetic3A_30 : i32
        %and3A_32 = arith.constant 3 : i32
        %and3A_33 = arith.andi %shift_right_arithmetic3A_31, %and3A_32 : i32
        %mul3A_34 = arith.constant 2 : i32
        %mul3A_35 = arith.muli %mul3A_34, %and3A_33 : i32
        %add3A_36 = arith.constant 1 : i32
        %add3A_37 = arith.addi %mul3A_35, %add3A_36 : i32
        %mul3A_38 = arith.constant 7 : i32
        %mul3A_39 = arith.muli %mul3A_38, %add3A_37 : i32
        %sub3A = arith.constant 1 : i32
        %sub3A_40 = arith.subi %mul3A_39, %sub3A : i32
        %shift_right_arithmetic3A_41 = arith.constant 1 : i32
        %shift_right_arithmetic3A_42 = arith.shrsi %sub3A_40, %shift_right_arithmetic3A_41 : i32
        %mul3A_43 = arith.constant 9 : i32
        %mul3A_44 = arith.muli %add3A_13, %mul3A_43 : i32
        %add3A_45 = arith.addi %mul3A_44, %add3A_37 : i32
        %mul3A_46 = arith.constant 3 : i32
        %mul3A_47 = arith.muli %mul3A_46, %and3A_29 : i32
        %sub3A_48 = arith.constant 3 : i32
        %sub3A_49 = arith.subi %sub3A_48, %mul3A_47 : i32
        %mul3A_50 = arith.constant 32 : i32
        %mul3A_51 = arith.muli %mul3A_50, %and3A_29 : i32
        %sub3A_52 = arith.constant 64 : i32
        %sub3A_53 = arith.subi %sub3A_52, %mul3A_51 : i32
        %add3A_54 = arith.constant 4 : i32
        %add3A_55 = arith.addi %shift_right_arithmetic3A_42, %add3A_54 : i32
        %mul3A_56 = arith.constant 4 : i32
        %mul3A_57 = arith.muli %mul3A_56, %and3A_29 : i32
        %sub3A_58 = arith.subi %add3A_55, %mul3A_57 : i32
        %mul3A_59 = arith.constant 96 : i32
        %mul3A_60 = arith.muli %mul3A_59, %and3A_29 : i32
        %mul3A_61 = arith.constant 64 : i32
        %mul3A_62 = arith.muli %add3A_45, %mul3A_61 : i32
        %add3A_63 = arith.addi %mul3A_62, %add3A_24 : i32
        %lt3A_64 = arith.constant 256 : i32
        %lt3A_65 = arith.cmpi slt, %add3A_9, %lt3A_64 : i32
        %and3A_66 = arith.andi %lt3A_65, %lt3A_25 : i1
        %convert_element_type3A = arith.extui %and3A_66 : i1 to i32
        %cond3A = arith.constant 0 : i32
        %cond3A_67 = arith.cmpi ne, %convert_element_type3A, %cond3A : i32
        scf.if %cond3A_67 {
          "tpu.region"() ({
            %run_scoped3A_68 = tpu.sem_alloc : memref<!tpu.dma_semaphore, #tpu.memory_space<semaphore_mem>>
            %dma_start3A = arith.constant 0 : i32
            %dma_start3A_69 = tpu.memref_slice %arg2[%add3A_63, %sub3A_49, %dma_start3A, %sub3A_53] : memref<5184x4x8x128xf32, #tpu.memory_space<hbm>> -> memref<14x1x8x32xf32, #tpu.memory_space<hbm>>
            %dma_start3A_70 = arith.constant 0 : i32
            %dma_start3A_71 = tpu.memref_slice %arg2[%add3A_63, %sub3A_49, %dma_start3A_70, %sub3A_53] : memref<5184x4x8x128xf32, #tpu.memory_space<hbm>> -> memref<14x1x8x32xf32, #tpu.memory_space<hbm>>
            tpu.enqueue_dma source(%dma_start3A_71 : memref<14x1x8x32xf32, #tpu.memory_space<hbm>>) target(%run_scoped3A : memref<14x1x8x32xf32, #tpu.memory_space<vmem>>) target_semaphore(%run_scoped3A_68 : memref<!tpu.dma_semaphore, #tpu.memory_space<semaphore_mem>>)
            %dma_wait3A = arith.constant 0 : i32
            %dma_wait3A_72 = tpu.memref_slice %arg2[%add3A_63, %sub3A_49, %dma_wait3A, %sub3A_53] : memref<5184x4x8x128xf32, #tpu.memory_space<hbm>> -> memref<14x1x8x32xf32, #tpu.memory_space<hbm>>
            %dma_wait3A_73 = arith.constant 0 : i32
            %dma_wait3A_74 = tpu.memref_slice %arg2[%add3A_63, %sub3A_49, %dma_wait3A_73, %sub3A_53] : memref<5184x4x8x128xf32, #tpu.memory_space<hbm>> -> memref<14x1x8x32xf32, #tpu.memory_space<hbm>>
            tpu.wait_dma2 semaphore(%run_scoped3A_68 : memref<!tpu.dma_semaphore, #tpu.memory_space<semaphore_mem>>) src(%dma_wait3A_74 : memref<14x1x8x32xf32, #tpu.memory_space<hbm>>) dst(%run_scoped3A : memref<14x1x8x32xf32, #tpu.memory_space<vmem>>)
            tpu.yield
          }) : () -> ()
          "tpu.region"() ({
            %run_scoped3A_68 = tpu.sem_alloc : memref<!tpu.dma_semaphore, #tpu.memory_space<semaphore_mem>>
            %dma_start3A = arith.constant 0 : i32
            %dma_start3A_69 = tpu.memref_slice %arg3[%add3A_20, %sub3A_58, %dma_start3A, %mul3A_60] : memref<512x32x8x128xf32, #tpu.memory_space<hbm>> -> memref<14x1x8x32xf32, #tpu.memory_space<hbm>>
            %dma_start3A_70 = arith.constant 0 : i32
            %dma_start3A_71 = tpu.memref_slice %arg3[%add3A_20, %sub3A_58, %dma_start3A_70, %mul3A_60] : memref<512x32x8x128xf32, #tpu.memory_space<hbm>> -> memref<14x1x8x32xf32, #tpu.memory_space<hbm>>
            tpu.enqueue_dma source(%run_scoped3A : memref<14x1x8x32xf32, #tpu.memory_space<vmem>>) target(%dma_start3A_71 : memref<14x1x8x32xf32, #tpu.memory_space<hbm>>) target_semaphore(%run_scoped3A_68 : memref<!tpu.dma_semaphore, #tpu.memory_space<semaphore_mem>>)
            %dma_wait3A = arith.constant 0 : i32
            %dma_wait3A_72 = tpu.memref_slice %arg3[%add3A_20, %sub3A_58, %dma_wait3A, %mul3A_60] : memref<512x32x8x128xf32, #tpu.memory_space<hbm>> -> memref<14x1x8x32xf32, #tpu.memory_space<hbm>>
            %dma_wait3A_73 = arith.constant 0 : i32
            %dma_wait3A_74 = tpu.memref_slice %arg3[%add3A_20, %sub3A_58, %dma_wait3A_73, %mul3A_60] : memref<512x32x8x128xf32, #tpu.memory_space<hbm>> -> memref<14x1x8x32xf32, #tpu.memory_space<hbm>>
            tpu.wait_dma2 semaphore(%run_scoped3A_68 : memref<!tpu.dma_semaphore, #tpu.memory_space<semaphore_mem>>) src(%run_scoped3A : memref<14x1x8x32xf32, #tpu.memory_space<vmem>>) dst(%dma_wait3A_74 : memref<14x1x8x32xf32, #tpu.memory_space<hbm>>)
            tpu.yield
          }) : () -> ()
        } else {
        }
      }
      %scan3A_5 = arith.constant 8 : i32
      tpu.yield
    }) : () -> ()
    "tpu.region"() ({
      %run_scoped3A = memref.alloca() : memref<14x1x8x96xf32, #tpu.memory_space<vmem>>
      %scan3A = arith.constant 0 : i32
      %scan3A_1 = arith.constant 0 : i32
      %scan3A_2 = arith.constant 8 : i32
      %scan3A_3 = arith.addi %scan3A_1, %scan3A_2 : i32
      %scan3A_4 = arith.constant 1 : i32
      scf.for %scan3A_6 = %scan3A_1 to %scan3A_3 step %scan3A_4  : i32 {
        %mul3A_7 = arith.constant 32 : i32
        %mul3A_8 = arith.muli %mul3A_7, %scan3A_6 : i32
        %add3A_9 = arith.addi %add3A, %mul3A_8 : i32
        %shift_right_arithmetic3A = arith.constant 5 : i32
        %shift_right_arithmetic3A_10 = arith.shrsi %add3A_9, %shift_right_arithmetic3A : i32
        %and3A = arith.constant 3 : i32
        %and3A_11 = arith.andi %add3A_9, %and3A : i32
        %add3A_12 = arith.constant 1 : i32
        %add3A_13 = arith.addi %shift_right_arithmetic3A_10, %add3A_12 : i32
        %mul3A_14 = arith.constant 56 : i32
        %mul3A_15 = arith.muli %mul3A_14, %add3A_13 : i32
        %add3A_16 = arith.constant 4 : i32
        %add3A_17 = arith.addi %mul3A_15, %add3A_16 : i32
        %mul3A_18 = arith.constant 14 : i32
        %mul3A_19 = arith.muli %mul3A_18, %and3A_11 : i32
        %add3A_20 = arith.addi %add3A_17, %mul3A_19 : i32
        %mul3A_21 = arith.constant 14 : i32
        %mul3A_22 = arith.muli %mul3A_21, %and3A_11 : i32
        %add3A_23 = arith.constant 4 : i32
        %add3A_24 = arith.addi %add3A_23, %mul3A_22 : i32
        %lt3A = arith.constant 7 : i32
        %lt3A_25 = arith.cmpi slt, %shift_right_arithmetic3A_10, %lt3A : i32
        %shift_right_arithmetic3A_26 = arith.constant 4 : i32
        %shift_right_arithmetic3A_27 = arith.shrsi %add3A_9, %shift_right_arithmetic3A_26 : i32
        %and3A_28 = arith.constant 1 : i32
        %and3A_29 = arith.andi %shift_right_arithmetic3A_27, %and3A_28 : i32
        %shift_right_arithmetic3A_30 = arith.constant 2 : i32
        %shift_right_arithmetic3A_31 = arith.shrsi %add3A_9, %shift_right_arithmetic3A_30 : i32
        %and3A_32 = arith.constant 3 : i32
        %and3A_33 = arith.andi %shift_right_arithmetic3A_31, %and3A_32 : i32
        %mul3A_34 = arith.constant 2 : i32
        %mul3A_35 = arith.muli %mul3A_34, %and3A_33 : i32
        %add3A_36 = arith.constant 2 : i32
        %add3A_37 = arith.addi %mul3A_35, %add3A_36 : i32
        %mul3A_38 = arith.constant 2 : i32
        %mul3A_39 = arith.muli %mul3A_38, %and3A_29 : i32
        %sub3A = arith.subi %add3A_37, %mul3A_39 : i32
        %mul3A_40 = arith.constant 9 : i32
        %mul3A_41 = arith.muli %add3A_13, %mul3A_40 : i32
        %add3A_42 = arith.addi %mul3A_41, %sub3A : i32
        %mul3A_43 = arith.constant 3 : i32
        %mul3A_44 = arith.muli %mul3A_43, %and3A_29 : i32
        %mul3A_45 = arith.constant 32 : i32
        %mul3A_46 = arith.muli %mul3A_45, %and3A_29 : i32
        %sub3A_47 = arith.constant 32 : i32
        %sub3A_48 = arith.subi %sub3A_47, %mul3A_46 : i32
        %mul3A_49 = arith.constant 7 : i32
        %mul3A_50 = arith.muli %mul3A_49, %and3A_33 : i32
        %add3A_51 = arith.constant 7 : i32
        %add3A_52 = arith.addi %mul3A_50, %add3A_51 : i32
        %mul3A_53 = arith.constant 4 : i32
        %mul3A_54 = arith.muli %mul3A_53, %and3A_29 : i32
        %sub3A_55 = arith.subi %add3A_52, %mul3A_54 : i32
        %mul3A_56 = arith.constant 32 : i32
        %mul3A_57 = arith.muli %mul3A_56, %and3A_29 : i32
        %sub3A_58 = arith.constant 32 : i32
        %sub3A_59 = arith.subi %sub3A_58, %mul3A_57 : i32
        %mul3A_60 = arith.constant 64 : i32
        %mul3A_61 = arith.muli %add3A_42, %mul3A_60 : i32
        %add3A_62 = arith.addi %mul3A_61, %add3A_24 : i32
        %lt3A_63 = arith.constant 256 : i32
        %lt3A_64 = arith.cmpi slt, %add3A_9, %lt3A_63 : i32
        %and3A_65 = arith.andi %lt3A_64, %lt3A_25 : i1
        %convert_element_type3A = arith.extui %and3A_65 : i1 to i32
        %cond3A = arith.constant 0 : i32
        %cond3A_66 = arith.cmpi ne, %convert_element_type3A, %cond3A : i32
        scf.if %cond3A_66 {
          "tpu.region"() ({
            %run_scoped3A_67 = tpu.sem_alloc : memref<!tpu.dma_semaphore, #tpu.memory_space<semaphore_mem>>
            %dma_start3A = arith.constant 0 : i32
            %dma_start3A_68 = tpu.memref_slice %arg2[%add3A_62, %mul3A_44, %dma_start3A, %sub3A_48] : memref<5184x4x8x128xf32, #tpu.memory_space<hbm>> -> memref<14x1x8x96xf32, #tpu.memory_space<hbm>>
            %dma_start3A_69 = arith.constant 0 : i32
            %dma_start3A_70 = tpu.memref_slice %arg2[%add3A_62, %mul3A_44, %dma_start3A_69, %sub3A_48] : memref<5184x4x8x128xf32, #tpu.memory_space<hbm>> -> memref<14x1x8x96xf32, #tpu.memory_space<hbm>>
            tpu.enqueue_dma source(%dma_start3A_70 : memref<14x1x8x96xf32, #tpu.memory_space<hbm>>) target(%run_scoped3A : memref<14x1x8x96xf32, #tpu.memory_space<vmem>>) target_semaphore(%run_scoped3A_67 : memref<!tpu.dma_semaphore, #tpu.memory_space<semaphore_mem>>)
            %dma_wait3A = arith.constant 0 : i32
            %dma_wait3A_71 = tpu.memref_slice %arg2[%add3A_62, %mul3A_44, %dma_wait3A, %sub3A_48] : memref<5184x4x8x128xf32, #tpu.memory_space<hbm>> -> memref<14x1x8x96xf32, #tpu.memory_space<hbm>>
            %dma_wait3A_72 = arith.constant 0 : i32
            %dma_wait3A_73 = tpu.memref_slice %arg2[%add3A_62, %mul3A_44, %dma_wait3A_72, %sub3A_48] : memref<5184x4x8x128xf32, #tpu.memory_space<hbm>> -> memref<14x1x8x96xf32, #tpu.memory_space<hbm>>
            tpu.wait_dma2 semaphore(%run_scoped3A_67 : memref<!tpu.dma_semaphore, #tpu.memory_space<semaphore_mem>>) src(%dma_wait3A_73 : memref<14x1x8x96xf32, #tpu.memory_space<hbm>>) dst(%run_scoped3A : memref<14x1x8x96xf32, #tpu.memory_space<vmem>>)
            tpu.yield
          }) : () -> ()
          "tpu.region"() ({
            %run_scoped3A_67 = tpu.sem_alloc : memref<!tpu.dma_semaphore, #tpu.memory_space<semaphore_mem>>
            %dma_start3A = arith.constant 0 : i32
            %dma_start3A_68 = tpu.memref_slice %arg3[%add3A_20, %sub3A_55, %dma_start3A, %sub3A_59] : memref<512x32x8x128xf32, #tpu.memory_space<hbm>> -> memref<14x1x8x96xf32, #tpu.memory_space<hbm>>
            %dma_start3A_69 = arith.constant 0 : i32
            %dma_start3A_70 = tpu.memref_slice %arg3[%add3A_20, %sub3A_55, %dma_start3A_69, %sub3A_59] : memref<512x32x8x128xf32, #tpu.memory_space<hbm>> -> memref<14x1x8x96xf32, #tpu.memory_space<hbm>>
            tpu.enqueue_dma source(%run_scoped3A : memref<14x1x8x96xf32, #tpu.memory_space<vmem>>) target(%dma_start3A_70 : memref<14x1x8x96xf32, #tpu.memory_space<hbm>>) target_semaphore(%run_scoped3A_67 : memref<!tpu.dma_semaphore, #tpu.memory_space<semaphore_mem>>)
            %dma_wait3A = arith.constant 0 : i32
            %dma_wait3A_71 = tpu.memref_slice %arg3[%add3A_20, %sub3A_55, %dma_wait3A, %sub3A_59] : memref<512x32x8x128xf32, #tpu.memory_space<hbm>> -> memref<14x1x8x96xf32, #tpu.memory_space<hbm>>
            %dma_wait3A_72 = arith.constant 0 : i32
            %dma_wait3A_73 = tpu.memref_slice %arg3[%add3A_20, %sub3A_55, %dma_wait3A_72, %sub3A_59] : memref<512x32x8x128xf32, #tpu.memory_space<hbm>> -> memref<14x1x8x96xf32, #tpu.memory_space<hbm>>
            tpu.wait_dma2 semaphore(%run_scoped3A_67 : memref<!tpu.dma_semaphore, #tpu.memory_space<semaphore_mem>>) src(%run_scoped3A : memref<14x1x8x96xf32, #tpu.memory_space<vmem>>) dst(%dma_wait3A_73 : memref<14x1x8x96xf32, #tpu.memory_space<hbm>>)
            tpu.yield
          }) : () -> ()
        } else {
        }
      }
      %scan3A_5 = arith.constant 8 : i32
      tpu.yield
    }) : () -> ()
    "tpu.region"() ({
      %run_scoped3A = memref.alloca() : memref<14x2x8x128xf32, #tpu.memory_space<vmem>>
      %scan3A = arith.constant 0 : i32
      %scan3A_1 = arith.constant 0 : i32
      %scan3A_2 = arith.constant 4 : i32
      %scan3A_3 = arith.addi %scan3A_1, %scan3A_2 : i32
      %scan3A_4 = arith.constant 1 : i32
      scf.for %scan3A_6 = %scan3A_1 to %scan3A_3 step %scan3A_4  : i32 {
        %mul3A_7 = arith.constant 32 : i32
        %mul3A_8 = arith.muli %mul3A_7, %scan3A_6 : i32
        %add3A_9 = arith.addi %add3A, %mul3A_8 : i32
        %shift_right_arithmetic3A = arith.constant 4 : i32
        %shift_right_arithmetic3A_10 = arith.shrsi %add3A_9, %shift_right_arithmetic3A : i32
        %shift_left3A = arith.constant 5 : i32
        %shift_left3A_11 = arith.shli %shift_right_arithmetic3A_10, %shift_left3A : i32
        %and3A = arith.constant 15 : i32
        %and3A_12 = arith.andi %add3A_9, %and3A : i32
        %or3A = arith.ori %shift_left3A_11, %and3A_12 : i32
        %shift_right_arithmetic3A_13 = arith.constant 5 : i32
        %shift_right_arithmetic3A_14 = arith.shrsi %or3A, %shift_right_arithmetic3A_13 : i32
        %and3A_15 = arith.constant 3 : i32
        %and3A_16 = arith.andi %or3A, %and3A_15 : i32
        %add3A_17 = arith.constant 1 : i32
        %add3A_18 = arith.addi %shift_right_arithmetic3A_14, %add3A_17 : i32
        %mul3A_19 = arith.constant 56 : i32
        %mul3A_20 = arith.muli %mul3A_19, %add3A_18 : i32
        %add3A_21 = arith.constant 4 : i32
        %add3A_22 = arith.addi %mul3A_20, %add3A_21 : i32
        %mul3A_23 = arith.constant 14 : i32
        %mul3A_24 = arith.muli %mul3A_23, %and3A_16 : i32
        %add3A_25 = arith.addi %add3A_22, %mul3A_24 : i32
        %mul3A_26 = arith.constant 14 : i32
        %mul3A_27 = arith.muli %mul3A_26, %and3A_16 : i32
        %add3A_28 = arith.constant 4 : i32
        %add3A_29 = arith.addi %add3A_28, %mul3A_27 : i32
        %lt3A = arith.constant 7 : i32
        %lt3A_30 = arith.cmpi slt, %shift_right_arithmetic3A_14, %lt3A : i32
        %shift_right_arithmetic3A_31 = arith.constant 2 : i32
        %shift_right_arithmetic3A_32 = arith.shrsi %add3A_9, %shift_right_arithmetic3A_31 : i32
        %and3A_33 = arith.constant 3 : i32
        %and3A_34 = arith.andi %shift_right_arithmetic3A_32, %and3A_33 : i32
        %mul3A_35 = arith.constant 2 : i32
        %mul3A_36 = arith.muli %mul3A_35, %and3A_34 : i32
        %add3A_37 = arith.constant 2 : i32
        %add3A_38 = arith.addi %mul3A_36, %add3A_37 : i32
        %mul3A_39 = arith.constant 9 : i32
        %mul3A_40 = arith.muli %add3A_18, %mul3A_39 : i32
        %add3A_41 = arith.addi %mul3A_40, %add3A_38 : i32
        %lt3A_42 = arith.constant 3 : i32
        %lt3A_43 = arith.cmpi slt, %and3A_34, %lt3A_42 : i32
        %and3A_44 = arith.andi %lt3A_30, %lt3A_43 : i1
        %mul3A_45 = arith.constant 7 : i32
        %mul3A_46 = arith.muli %mul3A_45, %and3A_34 : i32
        %add3A_47 = arith.constant 8 : i32
        %add3A_48 = arith.addi %mul3A_46, %add3A_47 : i32
        %mul3A_49 = arith.constant 64 : i32
        %mul3A_50 = arith.muli %add3A_41, %mul3A_49 : i32
        %add3A_51 = arith.addi %mul3A_50, %add3A_29 : i32
        %lt3A_52 = arith.constant 128 : i32
        %lt3A_53 = arith.cmpi slt, %add3A_9, %lt3A_52 : i32
        %and3A_54 = arith.andi %lt3A_53, %and3A_44 : i1
        %convert_element_type3A = arith.extui %and3A_54 : i1 to i32
        %cond3A = arith.constant 0 : i32
        %cond3A_55 = arith.cmpi ne, %convert_element_type3A, %cond3A : i32
        scf.if %cond3A_55 {
          "tpu.region"() ({
            %run_scoped3A_56 = tpu.sem_alloc : memref<!tpu.dma_semaphore, #tpu.memory_space<semaphore_mem>>
            %dma_start3A = arith.constant 1 : i32
            %dma_start3A_57 = arith.constant 0 : i32
            %dma_start3A_58 = arith.constant 0 : i32
            %dma_start3A_59 = tpu.memref_slice %arg2[%add3A_51, %dma_start3A, %dma_start3A_57, %dma_start3A_58] : memref<5184x4x8x128xf32, #tpu.memory_space<hbm>> -> memref<14x2x8x128xf32, #tpu.memory_space<hbm>>
            %dma_start3A_60 = arith.constant 1 : i32
            %dma_start3A_61 = arith.constant 0 : i32
            %dma_start3A_62 = arith.constant 0 : i32
            %dma_start3A_63 = tpu.memref_slice %arg2[%add3A_51, %dma_start3A_60, %dma_start3A_61, %dma_start3A_62] : memref<5184x4x8x128xf32, #tpu.memory_space<hbm>> -> memref<14x2x8x128xf32, #tpu.memory_space<hbm>>
            tpu.enqueue_dma source(%dma_start3A_63 : memref<14x2x8x128xf32, #tpu.memory_space<hbm>>) target(%run_scoped3A : memref<14x2x8x128xf32, #tpu.memory_space<vmem>>) target_semaphore(%run_scoped3A_56 : memref<!tpu.dma_semaphore, #tpu.memory_space<semaphore_mem>>)
            %dma_wait3A = arith.constant 1 : i32
            %dma_wait3A_64 = arith.constant 0 : i32
            %dma_wait3A_65 = arith.constant 0 : i32
            %dma_wait3A_66 = tpu.memref_slice %arg2[%add3A_51, %dma_wait3A, %dma_wait3A_64, %dma_wait3A_65] : memref<5184x4x8x128xf32, #tpu.memory_space<hbm>> -> memref<14x2x8x128xf32, #tpu.memory_space<hbm>>
            %dma_wait3A_67 = arith.constant 1 : i32
            %dma_wait3A_68 = arith.constant 0 : i32
            %dma_wait3A_69 = arith.constant 0 : i32
            %dma_wait3A_70 = tpu.memref_slice %arg2[%add3A_51, %dma_wait3A_67, %dma_wait3A_68, %dma_wait3A_69] : memref<5184x4x8x128xf32, #tpu.memory_space<hbm>> -> memref<14x2x8x128xf32, #tpu.memory_space<hbm>>
            tpu.wait_dma2 semaphore(%run_scoped3A_56 : memref<!tpu.dma_semaphore, #tpu.memory_space<semaphore_mem>>) src(%dma_wait3A_70 : memref<14x2x8x128xf32, #tpu.memory_space<hbm>>) dst(%run_scoped3A : memref<14x2x8x128xf32, #tpu.memory_space<vmem>>)
            tpu.yield
          }) : () -> ()
          "tpu.region"() ({
            %run_scoped3A_56 = tpu.sem_alloc : memref<!tpu.dma_semaphore, #tpu.memory_space<semaphore_mem>>
            %dma_start3A = arith.constant 0 : i32
            %dma_start3A_57 = arith.constant 0 : i32
            %dma_start3A_58 = tpu.memref_slice %arg3[%add3A_25, %add3A_48, %dma_start3A, %dma_start3A_57] : memref<512x32x8x128xf32, #tpu.memory_space<hbm>> -> memref<14x2x8x128xf32, #tpu.memory_space<hbm>>
            %dma_start3A_59 = arith.constant 0 : i32
            %dma_start3A_60 = arith.constant 0 : i32
            %dma_start3A_61 = tpu.memref_slice %arg3[%add3A_25, %add3A_48, %dma_start3A_59, %dma_start3A_60] : memref<512x32x8x128xf32, #tpu.memory_space<hbm>> -> memref<14x2x8x128xf32, #tpu.memory_space<hbm>>
            tpu.enqueue_dma source(%run_scoped3A : memref<14x2x8x128xf32, #tpu.memory_space<vmem>>) target(%dma_start3A_61 : memref<14x2x8x128xf32, #tpu.memory_space<hbm>>) target_semaphore(%run_scoped3A_56 : memref<!tpu.dma_semaphore, #tpu.memory_space<semaphore_mem>>)
            %dma_wait3A = arith.constant 0 : i32
            %dma_wait3A_62 = arith.constant 0 : i32
            %dma_wait3A_63 = tpu.memref_slice %arg3[%add3A_25, %add3A_48, %dma_wait3A, %dma_wait3A_62] : memref<512x32x8x128xf32, #tpu.memory_space<hbm>> -> memref<14x2x8x128xf32, #tpu.memory_space<hbm>>
            %dma_wait3A_64 = arith.constant 0 : i32
            %dma_wait3A_65 = arith.constant 0 : i32
            %dma_wait3A_66 = tpu.memref_slice %arg3[%add3A_25, %add3A_48, %dma_wait3A_64, %dma_wait3A_65] : memref<512x32x8x128xf32, #tpu.memory_space<hbm>> -> memref<14x2x8x128xf32, #tpu.memory_space<hbm>>
            tpu.wait_dma2 semaphore(%run_scoped3A_56 : memref<!tpu.dma_semaphore, #tpu.memory_space<semaphore_mem>>) src(%run_scoped3A : memref<14x2x8x128xf32, #tpu.memory_space<vmem>>) dst(%dma_wait3A_66 : memref<14x2x8x128xf32, #tpu.memory_space<hbm>>)
            tpu.yield
          }) : () -> ()
        } else {
        }
      }
      %scan3A_5 = arith.constant 4 : i32
      tpu.yield
    }) : () -> ()
    "tpu.region"() ({
      %run_scoped3A = memref.alloca() : memref<14x3x8x128xf32, #tpu.memory_space<vmem>>
      %scan3A = arith.constant 0 : i32
      %scan3A_1 = arith.constant 0 : i32
      %scan3A_2 = arith.constant 2 : i32
      %scan3A_3 = arith.addi %scan3A_1, %scan3A_2 : i32
      %scan3A_4 = arith.constant 1 : i32
      scf.for %scan3A_6 = %scan3A_1 to %scan3A_3 step %scan3A_4  : i32 {
        %mul3A_7 = arith.constant 32 : i32
        %mul3A_8 = arith.muli %mul3A_7, %scan3A_6 : i32
        %add3A_9 = arith.addi %add3A, %mul3A_8 : i32
        %shift_right_arithmetic3A = arith.constant 3 : i32
        %shift_right_arithmetic3A_10 = arith.shrsi %add3A_9, %shift_right_arithmetic3A : i32
        %shift_left3A = arith.constant 5 : i32
        %shift_left3A_11 = arith.shli %shift_right_arithmetic3A_10, %shift_left3A : i32
        %and3A = arith.constant 7 : i32
        %and3A_12 = arith.andi %add3A_9, %and3A : i32
        %or3A = arith.ori %shift_left3A_11, %and3A_12 : i32
        %shift_right_arithmetic3A_13 = arith.constant 5 : i32
        %shift_right_arithmetic3A_14 = arith.shrsi %or3A, %shift_right_arithmetic3A_13 : i32
        %and3A_15 = arith.constant 3 : i32
        %and3A_16 = arith.andi %or3A, %and3A_15 : i32
        %add3A_17 = arith.constant 1 : i32
        %add3A_18 = arith.addi %shift_right_arithmetic3A_14, %add3A_17 : i32
        %mul3A_19 = arith.constant 56 : i32
        %mul3A_20 = arith.muli %mul3A_19, %add3A_18 : i32
        %add3A_21 = arith.constant 4 : i32
        %add3A_22 = arith.addi %mul3A_20, %add3A_21 : i32
        %mul3A_23 = arith.constant 14 : i32
        %mul3A_24 = arith.muli %mul3A_23, %and3A_16 : i32
        %add3A_25 = arith.addi %add3A_22, %mul3A_24 : i32
        %mul3A_26 = arith.constant 14 : i32
        %mul3A_27 = arith.muli %mul3A_26, %and3A_16 : i32
        %add3A_28 = arith.constant 4 : i32
        %add3A_29 = arith.addi %add3A_28, %mul3A_27 : i32
        %lt3A = arith.constant 7 : i32
        %lt3A_30 = arith.cmpi slt, %shift_right_arithmetic3A_14, %lt3A : i32
        %shift_right_arithmetic3A_31 = arith.constant 2 : i32
        %shift_right_arithmetic3A_32 = arith.shrsi %add3A_9, %shift_right_arithmetic3A_31 : i32
        %and3A_33 = arith.constant 1 : i32
        %and3A_34 = arith.andi %shift_right_arithmetic3A_32, %and3A_33 : i32
        %mul3A_35 = arith.constant 9 : i32
        %mul3A_36 = arith.muli %add3A_18, %mul3A_35 : i32
        %mul3A_37 = arith.constant 8 : i32
        %mul3A_38 = arith.muli %mul3A_37, %and3A_34 : i32
        %add3A_39 = arith.addi %mul3A_36, %mul3A_38 : i32
        %mul3A_40 = arith.constant 29 : i32
        %mul3A_41 = arith.muli %mul3A_40, %and3A_34 : i32
        %mul3A_42 = arith.constant 64 : i32
        %mul3A_43 = arith.muli %add3A_39, %mul3A_42 : i32
        %add3A_44 = arith.addi %mul3A_43, %add3A_29 : i32
        %lt3A_45 = arith.constant 64 : i32
        %lt3A_46 = arith.cmpi slt, %add3A_9, %lt3A_45 : i32
        %and3A_47 = arith.andi %lt3A_46, %lt3A_30 : i1
        %convert_element_type3A = arith.extui %and3A_47 : i1 to i32
        %cond3A = arith.constant 0 : i32
        %cond3A_48 = arith.cmpi ne, %convert_element_type3A, %cond3A : i32
        scf.if %cond3A_48 {
          "tpu.region"() ({
            %run_scoped3A_49 = tpu.sem_alloc : memref<!tpu.dma_semaphore, #tpu.memory_space<semaphore_mem>>
            %dma_start3A = arith.constant 0 : i32
            %dma_start3A_50 = arith.constant 0 : i32
            %dma_start3A_51 = tpu.memref_slice %arg2[%add3A_44, %and3A_34, %dma_start3A, %dma_start3A_50] : memref<5184x4x8x128xf32, #tpu.memory_space<hbm>> -> memref<14x3x8x128xf32, #tpu.memory_space<hbm>>
            %dma_start3A_52 = arith.constant 0 : i32
            %dma_start3A_53 = arith.constant 0 : i32
            %dma_start3A_54 = tpu.memref_slice %arg2[%add3A_44, %and3A_34, %dma_start3A_52, %dma_start3A_53] : memref<5184x4x8x128xf32, #tpu.memory_space<hbm>> -> memref<14x3x8x128xf32, #tpu.memory_space<hbm>>
            tpu.enqueue_dma source(%dma_start3A_54 : memref<14x3x8x128xf32, #tpu.memory_space<hbm>>) target(%run_scoped3A : memref<14x3x8x128xf32, #tpu.memory_space<vmem>>) target_semaphore(%run_scoped3A_49 : memref<!tpu.dma_semaphore, #tpu.memory_space<semaphore_mem>>)
            %dma_wait3A = arith.constant 0 : i32
            %dma_wait3A_55 = arith.constant 0 : i32
            %dma_wait3A_56 = tpu.memref_slice %arg2[%add3A_44, %and3A_34, %dma_wait3A, %dma_wait3A_55] : memref<5184x4x8x128xf32, #tpu.memory_space<hbm>> -> memref<14x3x8x128xf32, #tpu.memory_space<hbm>>
            %dma_wait3A_57 = arith.constant 0 : i32
            %dma_wait3A_58 = arith.constant 0 : i32
            %dma_wait3A_59 = tpu.memref_slice %arg2[%add3A_44, %and3A_34, %dma_wait3A_57, %dma_wait3A_58] : memref<5184x4x8x128xf32, #tpu.memory_space<hbm>> -> memref<14x3x8x128xf32, #tpu.memory_space<hbm>>
            tpu.wait_dma2 semaphore(%run_scoped3A_49 : memref<!tpu.dma_semaphore, #tpu.memory_space<semaphore_mem>>) src(%dma_wait3A_59 : memref<14x3x8x128xf32, #tpu.memory_space<hbm>>) dst(%run_scoped3A : memref<14x3x8x128xf32, #tpu.memory_space<vmem>>)
            tpu.yield
          }) : () -> ()
          "tpu.region"() ({
            %run_scoped3A_49 = tpu.sem_alloc : memref<!tpu.dma_semaphore, #tpu.memory_space<semaphore_mem>>
            %dma_start3A = arith.constant 0 : i32
            %dma_start3A_50 = arith.constant 0 : i32
            %dma_start3A_51 = tpu.memref_slice %arg3[%add3A_25, %mul3A_41, %dma_start3A, %dma_start3A_50] : memref<512x32x8x128xf32, #tpu.memory_space<hbm>> -> memref<14x3x8x128xf32, #tpu.memory_space<hbm>>
            %dma_start3A_52 = arith.constant 0 : i32
            %dma_start3A_53 = arith.constant 0 : i32
            %dma_start3A_54 = tpu.memref_slice %arg3[%add3A_25, %mul3A_41, %dma_start3A_52, %dma_start3A_53] : memref<512x32x8x128xf32, #tpu.memory_space<hbm>> -> memref<14x3x8x128xf32, #tpu.memory_space<hbm>>
            tpu.enqueue_dma source(%run_scoped3A : memref<14x3x8x128xf32, #tpu.memory_space<vmem>>) target(%dma_start3A_54 : memref<14x3x8x128xf32, #tpu.memory_space<hbm>>) target_semaphore(%run_scoped3A_49 : memref<!tpu.dma_semaphore, #tpu.memory_space<semaphore_mem>>)
            %dma_wait3A = arith.constant 0 : i32
            %dma_wait3A_55 = arith.constant 0 : i32
            %dma_wait3A_56 = tpu.memref_slice %arg3[%add3A_25, %mul3A_41, %dma_wait3A, %dma_wait3A_55] : memref<512x32x8x128xf32, #tpu.memory_space<hbm>> -> memref<14x3x8x128xf32, #tpu.memory_space<hbm>>
            %dma_wait3A_57 = arith.constant 0 : i32
            %dma_wait3A_58 = arith.constant 0 : i32
            %dma_wait3A_59 = tpu.memref_slice %arg3[%add3A_25, %mul3A_41, %dma_wait3A_57, %dma_wait3A_58] : memref<512x32x8x128xf32, #tpu.memory_space<hbm>> -> memref<14x3x8x128xf32, #tpu.memory_space<hbm>>
            tpu.wait_dma2 semaphore(%run_scoped3A_49 : memref<!tpu.dma_semaphore, #tpu.memory_space<semaphore_mem>>) src(%run_scoped3A : memref<14x3x8x128xf32, #tpu.memory_space<vmem>>) dst(%dma_wait3A_59 : memref<14x3x8x128xf32, #tpu.memory_space<hbm>>)
            tpu.yield
          }) : () -> ()
        } else {
        }
      }
      %scan3A_5 = arith.constant 2 : i32
      tpu.yield
    }) : () -> ()
    "tpu.region"() ({
      %run_scoped3A = memref.alloca() : memref<15x3x8x64xf32, #tpu.memory_space<vmem>>
      %scan3A = arith.constant 0 : i32
      %scan3A_1 = arith.constant 0 : i32
      %scan3A_2 = arith.constant 2 : i32
      %scan3A_3 = arith.addi %scan3A_1, %scan3A_2 : i32
      %scan3A_4 = arith.constant 1 : i32
      scf.for %scan3A_6 = %scan3A_1 to %scan3A_3 step %scan3A_4  : i32 {
        %mul3A_7 = arith.constant 32 : i32
        %mul3A_8 = arith.muli %mul3A_7, %scan3A_6 : i32
        %add3A_9 = arith.addi %add3A, %mul3A_8 : i32
        %shift_right_arithmetic3A = arith.constant 5 : i32
        %shift_right_arithmetic3A_10 = arith.shrsi %add3A_9, %shift_right_arithmetic3A : i32
        %and3A = arith.constant 1 : i32
        %and3A_11 = arith.andi %shift_right_arithmetic3A_10, %and3A : i32
        %and3A_12 = arith.constant 3 : i32
        %and3A_13 = arith.andi %add3A_9, %and3A_12 : i32
        %mul3A_14 = arith.constant 8 : i32
        %mul3A_15 = arith.muli %mul3A_14, %and3A_11 : i32
        %mul3A_16 = arith.constant 452 : i32
        %mul3A_17 = arith.muli %mul3A_16, %and3A_11 : i32
        %mul3A_18 = arith.constant 15 : i32
        %mul3A_19 = arith.muli %mul3A_18, %and3A_13 : i32
        %add3A_20 = arith.addi %mul3A_17, %mul3A_19 : i32
        %mul3A_21 = arith.constant 4 : i32
        %mul3A_22 = arith.muli %mul3A_21, %and3A_11 : i32
        %mul3A_23 = arith.constant 15 : i32
        %mul3A_24 = arith.muli %mul3A_23, %and3A_13 : i32
        %add3A_25 = arith.addi %mul3A_22, %mul3A_24 : i32
        %ge3A = arith.constant 0 : i32
        %ge3A_26 = arith.cmpi sge, %add3A_9, %ge3A : i32
        %shift_right_arithmetic3A_27 = arith.constant 4 : i32
        %shift_right_arithmetic3A_28 = arith.shrsi %add3A_9, %shift_right_arithmetic3A_27 : i32
        %and3A_29 = arith.constant 1 : i32
        %and3A_30 = arith.andi %shift_right_arithmetic3A_28, %and3A_29 : i32
        %shift_right_arithmetic3A_31 = arith.constant 2 : i32
        %shift_right_arithmetic3A_32 = arith.shrsi %add3A_9, %shift_right_arithmetic3A_31 : i32
        %and3A_33 = arith.constant 3 : i32
        %and3A_34 = arith.andi %shift_right_arithmetic3A_32, %and3A_33 : i32
        %mul3A_35 = arith.constant 2 : i32
        %mul3A_36 = arith.muli %mul3A_35, %and3A_34 : i32
        %add3A_37 = arith.constant 1 : i32
        %add3A_38 = arith.addi %mul3A_36, %add3A_37 : i32
        %mul3A_39 = arith.constant 7 : i32
        %mul3A_40 = arith.muli %mul3A_39, %add3A_38 : i32
        %sub3A = arith.constant 1 : i32
        %sub3A_41 = arith.subi %mul3A_40, %sub3A : i32
        %shift_right_arithmetic3A_42 = arith.constant 1 : i32
        %shift_right_arithmetic3A_43 = arith.shrsi %sub3A_41, %shift_right_arithmetic3A_42 : i32
        %mul3A_44 = arith.constant 9 : i32
        %mul3A_45 = arith.muli %mul3A_15, %mul3A_44 : i32
        %add3A_46 = arith.addi %mul3A_45, %add3A_38 : i32
        %mul3A_47 = arith.constant 64 : i32
        %mul3A_48 = arith.muli %mul3A_47, %and3A_30 : i32
        %sub3A_49 = arith.constant 64 : i32
        %sub3A_50 = arith.subi %sub3A_49, %mul3A_48 : i32
        %add3A_51 = arith.constant 1 : i32
        %add3A_52 = arith.addi %shift_right_arithmetic3A_43, %add3A_51 : i32
        %mul3A_53 = arith.constant 64 : i32
        %mul3A_54 = arith.muli %mul3A_53, %and3A_30 : i32
        %mul3A_55 = arith.constant 64 : i32
        %mul3A_56 = arith.muli %add3A_46, %mul3A_55 : i32
        %add3A_57 = arith.addi %mul3A_56, %add3A_25 : i32
        %lt3A = arith.constant 64 : i32
        %lt3A_58 = arith.cmpi slt, %add3A_9, %lt3A : i32
        %and3A_59 = arith.andi %lt3A_58, %ge3A_26 : i1
        %convert_element_type3A = arith.extui %and3A_59 : i1 to i32
        %cond3A = arith.constant 0 : i32
        %cond3A_60 = arith.cmpi ne, %convert_element_type3A, %cond3A : i32
        scf.if %cond3A_60 {
          "tpu.region"() ({
            %run_scoped3A_61 = tpu.sem_alloc : memref<!tpu.dma_semaphore, #tpu.memory_space<semaphore_mem>>
            %dma_start3A = arith.constant 0 : i32
            %dma_start3A_62 = tpu.memref_slice %arg2[%add3A_57, %and3A_30, %dma_start3A, %sub3A_50] : memref<5184x4x8x128xf32, #tpu.memory_space<hbm>> -> memref<15x3x8x64xf32, #tpu.memory_space<hbm>>
            %dma_start3A_63 = arith.constant 0 : i32
            %dma_start3A_64 = tpu.memref_slice %arg2[%add3A_57, %and3A_30, %dma_start3A_63, %sub3A_50] : memref<5184x4x8x128xf32, #tpu.memory_space<hbm>> -> memref<15x3x8x64xf32, #tpu.memory_space<hbm>>
            tpu.enqueue_dma source(%dma_start3A_64 : memref<15x3x8x64xf32, #tpu.memory_space<hbm>>) target(%run_scoped3A : memref<15x3x8x64xf32, #tpu.memory_space<vmem>>) target_semaphore(%run_scoped3A_61 : memref<!tpu.dma_semaphore, #tpu.memory_space<semaphore_mem>>)
            %dma_wait3A = arith.constant 0 : i32
            %dma_wait3A_65 = tpu.memref_slice %arg2[%add3A_57, %and3A_30, %dma_wait3A, %sub3A_50] : memref<5184x4x8x128xf32, #tpu.memory_space<hbm>> -> memref<15x3x8x64xf32, #tpu.memory_space<hbm>>
            %dma_wait3A_66 = arith.constant 0 : i32
            %dma_wait3A_67 = tpu.memref_slice %arg2[%add3A_57, %and3A_30, %dma_wait3A_66, %sub3A_50] : memref<5184x4x8x128xf32, #tpu.memory_space<hbm>> -> memref<15x3x8x64xf32, #tpu.memory_space<hbm>>
            tpu.wait_dma2 semaphore(%run_scoped3A_61 : memref<!tpu.dma_semaphore, #tpu.memory_space<semaphore_mem>>) src(%dma_wait3A_67 : memref<15x3x8x64xf32, #tpu.memory_space<hbm>>) dst(%run_scoped3A : memref<15x3x8x64xf32, #tpu.memory_space<vmem>>)
            tpu.yield
          }) : () -> ()
          "tpu.region"() ({
            %run_scoped3A_61 = tpu.sem_alloc : memref<!tpu.dma_semaphore, #tpu.memory_space<semaphore_mem>>
            %dma_start3A = arith.constant 0 : i32
            %dma_start3A_62 = tpu.memref_slice %arg3[%add3A_20, %add3A_52, %dma_start3A, %mul3A_54] : memref<512x32x8x128xf32, #tpu.memory_space<hbm>> -> memref<15x3x8x64xf32, #tpu.memory_space<hbm>>
            %dma_start3A_63 = arith.constant 0 : i32
            %dma_start3A_64 = tpu.memref_slice %arg3[%add3A_20, %add3A_52, %dma_start3A_63, %mul3A_54] : memref<512x32x8x128xf32, #tpu.memory_space<hbm>> -> memref<15x3x8x64xf32, #tpu.memory_space<hbm>>
            tpu.enqueue_dma source(%run_scoped3A : memref<15x3x8x64xf32, #tpu.memory_space<vmem>>) target(%dma_start3A_64 : memref<15x3x8x64xf32, #tpu.memory_space<hbm>>) target_semaphore(%run_scoped3A_61 : memref<!tpu.dma_semaphore, #tpu.memory_space<semaphore_mem>>)
            %dma_wait3A = arith.constant 0 : i32
            %dma_wait3A_65 = tpu.memref_slice %arg3[%add3A_20, %add3A_52, %dma_wait3A, %mul3A_54] : memref<512x32x8x128xf32, #tpu.memory_space<hbm>> -> memref<15x3x8x64xf32, #tpu.memory_space<hbm>>
            %dma_wait3A_66 = arith.constant 0 : i32
            %dma_wait3A_67 = tpu.memref_slice %arg3[%add3A_20, %add3A_52, %dma_wait3A_66, %mul3A_54] : memref<512x32x8x128xf32, #tpu.memory_space<hbm>> -> memref<15x3x8x64xf32, #tpu.memory_space<hbm>>
            tpu.wait_dma2 semaphore(%run_scoped3A_61 : memref<!tpu.dma_semaphore, #tpu.memory_space<semaphore_mem>>) src(%run_scoped3A : memref<15x3x8x64xf32, #tpu.memory_space<vmem>>) dst(%dma_wait3A_67 : memref<15x3x8x64xf32, #tpu.memory_space<hbm>>)
            tpu.yield
          }) : () -> ()
        } else {
        }
      }
      %scan3A_5 = arith.constant 2 : i32
      tpu.yield
    }) : () -> ()
    "tpu.region"() ({
      %run_scoped3A = memref.alloca() : memref<15x1x8x32xf32, #tpu.memory_space<vmem>>
      %scan3A = arith.constant 0 : i32
      %scan3A_1 = arith.constant 0 : i32
      %scan3A_2 = arith.constant 2 : i32
      %scan3A_3 = arith.addi %scan3A_1, %scan3A_2 : i32
      %scan3A_4 = arith.constant 1 : i32
      scf.for %scan3A_6 = %scan3A_1 to %scan3A_3 step %scan3A_4  : i32 {
        %mul3A_7 = arith.constant 32 : i32
        %mul3A_8 = arith.muli %mul3A_7, %scan3A_6 : i32
        %add3A_9 = arith.addi %add3A, %mul3A_8 : i32
        %shift_right_arithmetic3A = arith.constant 5 : i32
        %shift_right_arithmetic3A_10 = arith.shrsi %add3A_9, %shift_right_arithmetic3A : i32
        %and3A = arith.constant 1 : i32
        %and3A_11 = arith.andi %shift_right_arithmetic3A_10, %and3A : i32
        %and3A_12 = arith.constant 3 : i32
        %and3A_13 = arith.andi %add3A_9, %and3A_12 : i32
        %mul3A_14 = arith.constant 8 : i32
        %mul3A_15 = arith.muli %mul3A_14, %and3A_11 : i32
        %mul3A_16 = arith.constant 452 : i32
        %mul3A_17 = arith.muli %mul3A_16, %and3A_11 : i32
        %mul3A_18 = arith.constant 15 : i32
        %mul3A_19 = arith.muli %mul3A_18, %and3A_13 : i32
        %add3A_20 = arith.addi %mul3A_17, %mul3A_19 : i32
        %mul3A_21 = arith.constant 4 : i32
        %mul3A_22 = arith.muli %mul3A_21, %and3A_11 : i32
        %mul3A_23 = arith.constant 15 : i32
        %mul3A_24 = arith.muli %mul3A_23, %and3A_13 : i32
        %add3A_25 = arith.addi %mul3A_22, %mul3A_24 : i32
        %ge3A = arith.constant 0 : i32
        %ge3A_26 = arith.cmpi sge, %add3A_9, %ge3A : i32
        %shift_right_arithmetic3A_27 = arith.constant 4 : i32
        %shift_right_arithmetic3A_28 = arith.shrsi %add3A_9, %shift_right_arithmetic3A_27 : i32
        %and3A_29 = arith.constant 1 : i32
        %and3A_30 = arith.andi %shift_right_arithmetic3A_28, %and3A_29 : i32
        %shift_right_arithmetic3A_31 = arith.constant 2 : i32
        %shift_right_arithmetic3A_32 = arith.shrsi %add3A_9, %shift_right_arithmetic3A_31 : i32
        %and3A_33 = arith.constant 3 : i32
        %and3A_34 = arith.andi %shift_right_arithmetic3A_32, %and3A_33 : i32
        %mul3A_35 = arith.constant 2 : i32
        %mul3A_36 = arith.muli %mul3A_35, %and3A_34 : i32
        %add3A_37 = arith.constant 1 : i32
        %add3A_38 = arith.addi %mul3A_36, %add3A_37 : i32
        %mul3A_39 = arith.constant 7 : i32
        %mul3A_40 = arith.muli %mul3A_39, %add3A_38 : i32
        %sub3A = arith.constant 1 : i32
        %sub3A_41 = arith.subi %mul3A_40, %sub3A : i32
        %shift_right_arithmetic3A_42 = arith.constant 1 : i32
        %shift_right_arithmetic3A_43 = arith.shrsi %sub3A_41, %shift_right_arithmetic3A_42 : i32
        %mul3A_44 = arith.constant 9 : i32
        %mul3A_45 = arith.muli %mul3A_15, %mul3A_44 : i32
        %add3A_46 = arith.addi %mul3A_45, %add3A_38 : i32
        %mul3A_47 = arith.constant 3 : i32
        %mul3A_48 = arith.muli %mul3A_47, %and3A_30 : i32
        %sub3A_49 = arith.constant 3 : i32
        %sub3A_50 = arith.subi %sub3A_49, %mul3A_48 : i32
        %mul3A_51 = arith.constant 32 : i32
        %mul3A_52 = arith.muli %mul3A_51, %and3A_30 : i32
        %sub3A_53 = arith.constant 64 : i32
        %sub3A_54 = arith.subi %sub3A_53, %mul3A_52 : i32
        %add3A_55 = arith.constant 4 : i32
        %add3A_56 = arith.addi %shift_right_arithmetic3A_43, %add3A_55 : i32
        %mul3A_57 = arith.constant 4 : i32
        %mul3A_58 = arith.muli %mul3A_57, %and3A_30 : i32
        %sub3A_59 = arith.subi %add3A_56, %mul3A_58 : i32
        %mul3A_60 = arith.constant 96 : i32
        %mul3A_61 = arith.muli %mul3A_60, %and3A_30 : i32
        %mul3A_62 = arith.constant 64 : i32
        %mul3A_63 = arith.muli %add3A_46, %mul3A_62 : i32
        %add3A_64 = arith.addi %mul3A_63, %add3A_25 : i32
        %lt3A = arith.constant 64 : i32
        %lt3A_65 = arith.cmpi slt, %add3A_9, %lt3A : i32
        %and3A_66 = arith.andi %lt3A_65, %ge3A_26 : i1
        %convert_element_type3A = arith.extui %and3A_66 : i1 to i32
        %cond3A = arith.constant 0 : i32
        %cond3A_67 = arith.cmpi ne, %convert_element_type3A, %cond3A : i32
        scf.if %cond3A_67 {
          "tpu.region"() ({
            %run_scoped3A_68 = tpu.sem_alloc : memref<!tpu.dma_semaphore, #tpu.memory_space<semaphore_mem>>
            %dma_start3A = arith.constant 0 : i32
            %dma_start3A_69 = tpu.memref_slice %arg2[%add3A_64, %sub3A_50, %dma_start3A, %sub3A_54] : memref<5184x4x8x128xf32, #tpu.memory_space<hbm>> -> memref<15x1x8x32xf32, #tpu.memory_space<hbm>>
            %dma_start3A_70 = arith.constant 0 : i32
            %dma_start3A_71 = tpu.memref_slice %arg2[%add3A_64, %sub3A_50, %dma_start3A_70, %sub3A_54] : memref<5184x4x8x128xf32, #tpu.memory_space<hbm>> -> memref<15x1x8x32xf32, #tpu.memory_space<hbm>>
            tpu.enqueue_dma source(%dma_start3A_71 : memref<15x1x8x32xf32, #tpu.memory_space<hbm>>) target(%run_scoped3A : memref<15x1x8x32xf32, #tpu.memory_space<vmem>>) target_semaphore(%run_scoped3A_68 : memref<!tpu.dma_semaphore, #tpu.memory_space<semaphore_mem>>)
            %dma_wait3A = arith.constant 0 : i32
            %dma_wait3A_72 = tpu.memref_slice %arg2[%add3A_64, %sub3A_50, %dma_wait3A, %sub3A_54] : memref<5184x4x8x128xf32, #tpu.memory_space<hbm>> -> memref<15x1x8x32xf32, #tpu.memory_space<hbm>>
            %dma_wait3A_73 = arith.constant 0 : i32
            %dma_wait3A_74 = tpu.memref_slice %arg2[%add3A_64, %sub3A_50, %dma_wait3A_73, %sub3A_54] : memref<5184x4x8x128xf32, #tpu.memory_space<hbm>> -> memref<15x1x8x32xf32, #tpu.memory_space<hbm>>
            tpu.wait_dma2 semaphore(%run_scoped3A_68 : memref<!tpu.dma_semaphore, #tpu.memory_space<semaphore_mem>>) src(%dma_wait3A_74 : memref<15x1x8x32xf32, #tpu.memory_space<hbm>>) dst(%run_scoped3A : memref<15x1x8x32xf32, #tpu.memory_space<vmem>>)
            tpu.yield
          }) : () -> ()
          "tpu.region"() ({
            %run_scoped3A_68 = tpu.sem_alloc : memref<!tpu.dma_semaphore, #tpu.memory_space<semaphore_mem>>
            %dma_start3A = arith.constant 0 : i32
            %dma_start3A_69 = tpu.memref_slice %arg3[%add3A_20, %sub3A_59, %dma_start3A, %mul3A_61] : memref<512x32x8x128xf32, #tpu.memory_space<hbm>> -> memref<15x1x8x32xf32, #tpu.memory_space<hbm>>
            %dma_start3A_70 = arith.constant 0 : i32
            %dma_start3A_71 = tpu.memref_slice %arg3[%add3A_20, %sub3A_59, %dma_start3A_70, %mul3A_61] : memref<512x32x8x128xf32, #tpu.memory_space<hbm>> -> memref<15x1x8x32xf32, #tpu.memory_space<hbm>>
            tpu.enqueue_dma source(%run_scoped3A : memref<15x1x8x32xf32, #tpu.memory_space<vmem>>) target(%dma_start3A_71 : memref<15x1x8x32xf32, #tpu.memory_space<hbm>>) target_semaphore(%run_scoped3A_68 : memref<!tpu.dma_semaphore, #tpu.memory_space<semaphore_mem>>)
            %dma_wait3A = arith.constant 0 : i32
            %dma_wait3A_72 = tpu.memref_slice %arg3[%add3A_20, %sub3A_59, %dma_wait3A, %mul3A_61] : memref<512x32x8x128xf32, #tpu.memory_space<hbm>> -> memref<15x1x8x32xf32, #tpu.memory_space<hbm>>
            %dma_wait3A_73 = arith.constant 0 : i32
            %dma_wait3A_74 = tpu.memref_slice %arg3[%add3A_20, %sub3A_59, %dma_wait3A_73, %mul3A_61] : memref<512x32x8x128xf32, #tpu.memory_space<hbm>> -> memref<15x1x8x32xf32, #tpu.memory_space<hbm>>
            tpu.wait_dma2 semaphore(%run_scoped3A_68 : memref<!tpu.dma_semaphore, #tpu.memory_space<semaphore_mem>>) src(%run_scoped3A : memref<15x1x8x32xf32, #tpu.memory_space<vmem>>) dst(%dma_wait3A_74 : memref<15x1x8x32xf32, #tpu.memory_space<hbm>>)
            tpu.yield
          }) : () -> ()
        } else {
        }
      }
      %scan3A_5 = arith.constant 2 : i32
      tpu.yield
    }) : () -> ()
    "tpu.region"() ({
      %run_scoped3A = memref.alloca() : memref<15x1x8x96xf32, #tpu.memory_space<vmem>>
      %scan3A = arith.constant 0 : i32
      %scan3A_1 = arith.constant 0 : i32
      %scan3A_2 = arith.constant 2 : i32
      %scan3A_3 = arith.addi %scan3A_1, %scan3A_2 : i32
      %scan3A_4 = arith.constant 1 : i32
      scf.for %scan3A_6 = %scan3A_1 to %scan3A_3 step %scan3A_4  : i32 {
        %mul3A_7 = arith.constant 32 : i32
        %mul3A_8 = arith.muli %mul3A_7, %scan3A_6 : i32
        %add3A_9 = arith.addi %add3A, %mul3A_8 : i32
        %shift_right_arithmetic3A = arith.constant 5 : i32
        %shift_right_arithmetic3A_10 = arith.shrsi %add3A_9, %shift_right_arithmetic3A : i32
        %and3A = arith.constant 1 : i32
        %and3A_11 = arith.andi %shift_right_arithmetic3A_10, %and3A : i32
        %and3A_12 = arith.constant 3 : i32
        %and3A_13 = arith.andi %add3A_9, %and3A_12 : i32
        %mul3A_14 = arith.constant 8 : i32
        %mul3A_15 = arith.muli %mul3A_14, %and3A_11 : i32
        %mul3A_16 = arith.constant 452 : i32
        %mul3A_17 = arith.muli %mul3A_16, %and3A_11 : i32
        %mul3A_18 = arith.constant 15 : i32
        %mul3A_19 = arith.muli %mul3A_18, %and3A_13 : i32
        %add3A_20 = arith.addi %mul3A_17, %mul3A_19 : i32
        %mul3A_21 = arith.constant 4 : i32
        %mul3A_22 = arith.muli %mul3A_21, %and3A_11 : i32
        %mul3A_23 = arith.constant 15 : i32
        %mul3A_24 = arith.muli %mul3A_23, %and3A_13 : i32
        %add3A_25 = arith.addi %mul3A_22, %mul3A_24 : i32
        %ge3A = arith.constant 0 : i32
        %ge3A_26 = arith.cmpi sge, %add3A_9, %ge3A : i32
        %shift_right_arithmetic3A_27 = arith.constant 4 : i32
        %shift_right_arithmetic3A_28 = arith.shrsi %add3A_9, %shift_right_arithmetic3A_27 : i32
        %and3A_29 = arith.constant 1 : i32
        %and3A_30 = arith.andi %shift_right_arithmetic3A_28, %and3A_29 : i32
        %shift_right_arithmetic3A_31 = arith.constant 2 : i32
        %shift_right_arithmetic3A_32 = arith.shrsi %add3A_9, %shift_right_arithmetic3A_31 : i32
        %and3A_33 = arith.constant 3 : i32
        %and3A_34 = arith.andi %shift_right_arithmetic3A_32, %and3A_33 : i32
        %mul3A_35 = arith.constant 2 : i32
        %mul3A_36 = arith.muli %mul3A_35, %and3A_34 : i32
        %add3A_37 = arith.constant 2 : i32
        %add3A_38 = arith.addi %mul3A_36, %add3A_37 : i32
        %mul3A_39 = arith.constant 2 : i32
        %mul3A_40 = arith.muli %mul3A_39, %and3A_30 : i32
        %sub3A = arith.subi %add3A_38, %mul3A_40 : i32
        %mul3A_41 = arith.constant 9 : i32
        %mul3A_42 = arith.muli %mul3A_15, %mul3A_41 : i32
        %add3A_43 = arith.addi %mul3A_42, %sub3A : i32
        %mul3A_44 = arith.constant 3 : i32
        %mul3A_45 = arith.muli %mul3A_44, %and3A_30 : i32
        %mul3A_46 = arith.constant 32 : i32
        %mul3A_47 = arith.muli %mul3A_46, %and3A_30 : i32
        %sub3A_48 = arith.constant 32 : i32
        %sub3A_49 = arith.subi %sub3A_48, %mul3A_47 : i32
        %mul3A_50 = arith.constant 7 : i32
        %mul3A_51 = arith.muli %mul3A_50, %and3A_34 : i32
        %add3A_52 = arith.constant 7 : i32
        %add3A_53 = arith.addi %mul3A_51, %add3A_52 : i32
        %mul3A_54 = arith.constant 4 : i32
        %mul3A_55 = arith.muli %mul3A_54, %and3A_30 : i32
        %sub3A_56 = arith.subi %add3A_53, %mul3A_55 : i32
        %mul3A_57 = arith.constant 32 : i32
        %mul3A_58 = arith.muli %mul3A_57, %and3A_30 : i32
        %sub3A_59 = arith.constant 32 : i32
        %sub3A_60 = arith.subi %sub3A_59, %mul3A_58 : i32
        %mul3A_61 = arith.constant 64 : i32
        %mul3A_62 = arith.muli %add3A_43, %mul3A_61 : i32
        %add3A_63 = arith.addi %mul3A_62, %add3A_25 : i32
        %lt3A = arith.constant 64 : i32
        %lt3A_64 = arith.cmpi slt, %add3A_9, %lt3A : i32
        %and3A_65 = arith.andi %lt3A_64, %ge3A_26 : i1
        %convert_element_type3A = arith.extui %and3A_65 : i1 to i32
        %cond3A = arith.constant 0 : i32
        %cond3A_66 = arith.cmpi ne, %convert_element_type3A, %cond3A : i32
        scf.if %cond3A_66 {
          "tpu.region"() ({
            %run_scoped3A_67 = tpu.sem_alloc : memref<!tpu.dma_semaphore, #tpu.memory_space<semaphore_mem>>
            %dma_start3A = arith.constant 0 : i32
            %dma_start3A_68 = tpu.memref_slice %arg2[%add3A_63, %mul3A_45, %dma_start3A, %sub3A_49] : memref<5184x4x8x128xf32, #tpu.memory_space<hbm>> -> memref<15x1x8x96xf32, #tpu.memory_space<hbm>>
            %dma_start3A_69 = arith.constant 0 : i32
            %dma_start3A_70 = tpu.memref_slice %arg2[%add3A_63, %mul3A_45, %dma_start3A_69, %sub3A_49] : memref<5184x4x8x128xf32, #tpu.memory_space<hbm>> -> memref<15x1x8x96xf32, #tpu.memory_space<hbm>>
            tpu.enqueue_dma source(%dma_start3A_70 : memref<15x1x8x96xf32, #tpu.memory_space<hbm>>) target(%run_scoped3A : memref<15x1x8x96xf32, #tpu.memory_space<vmem>>) target_semaphore(%run_scoped3A_67 : memref<!tpu.dma_semaphore, #tpu.memory_space<semaphore_mem>>)
            %dma_wait3A = arith.constant 0 : i32
            %dma_wait3A_71 = tpu.memref_slice %arg2[%add3A_63, %mul3A_45, %dma_wait3A, %sub3A_49] : memref<5184x4x8x128xf32, #tpu.memory_space<hbm>> -> memref<15x1x8x96xf32, #tpu.memory_space<hbm>>
            %dma_wait3A_72 = arith.constant 0 : i32
            %dma_wait3A_73 = tpu.memref_slice %arg2[%add3A_63, %mul3A_45, %dma_wait3A_72, %sub3A_49] : memref<5184x4x8x128xf32, #tpu.memory_space<hbm>> -> memref<15x1x8x96xf32, #tpu.memory_space<hbm>>
            tpu.wait_dma2 semaphore(%run_scoped3A_67 : memref<!tpu.dma_semaphore, #tpu.memory_space<semaphore_mem>>) src(%dma_wait3A_73 : memref<15x1x8x96xf32, #tpu.memory_space<hbm>>) dst(%run_scoped3A : memref<15x1x8x96xf32, #tpu.memory_space<vmem>>)
            tpu.yield
          }) : () -> ()
          "tpu.region"() ({
            %run_scoped3A_67 = tpu.sem_alloc : memref<!tpu.dma_semaphore, #tpu.memory_space<semaphore_mem>>
            %dma_start3A = arith.constant 0 : i32
            %dma_start3A_68 = tpu.memref_slice %arg3[%add3A_20, %sub3A_56, %dma_start3A, %sub3A_60] : memref<512x32x8x128xf32, #tpu.memory_space<hbm>> -> memref<15x1x8x96xf32, #tpu.memory_space<hbm>>
            %dma_start3A_69 = arith.constant 0 : i32
            %dma_start3A_70 = tpu.memref_slice %arg3[%add3A_20, %sub3A_56, %dma_start3A_69, %sub3A_60] : memref<512x32x8x128xf32, #tpu.memory_space<hbm>> -> memref<15x1x8x96xf32, #tpu.memory_space<hbm>>
            tpu.enqueue_dma source(%run_scoped3A : memref<15x1x8x96xf32, #tpu.memory_space<vmem>>) target(%dma_start3A_70 : memref<15x1x8x96xf32, #tpu.memory_space<hbm>>) target_semaphore(%run_scoped3A_67 : memref<!tpu.dma_semaphore, #tpu.memory_space<semaphore_mem>>)
            %dma_wait3A = arith.constant 0 : i32
            %dma_wait3A_71 = tpu.memref_slice %arg3[%add3A_20, %sub3A_56, %dma_wait3A, %sub3A_60] : memref<512x32x8x128xf32, #tpu.memory_space<hbm>> -> memref<15x1x8x96xf32, #tpu.memory_space<hbm>>
            %dma_wait3A_72 = arith.constant 0 : i32
            %dma_wait3A_73 = tpu.memref_slice %arg3[%add3A_20, %sub3A_56, %dma_wait3A_72, %sub3A_60] : memref<512x32x8x128xf32, #tpu.memory_space<hbm>> -> memref<15x1x8x96xf32, #tpu.memory_space<hbm>>
            tpu.wait_dma2 semaphore(%run_scoped3A_67 : memref<!tpu.dma_semaphore, #tpu.memory_space<semaphore_mem>>) src(%run_scoped3A : memref<15x1x8x96xf32, #tpu.memory_space<vmem>>) dst(%dma_wait3A_73 : memref<15x1x8x96xf32, #tpu.memory_space<hbm>>)
            tpu.yield
          }) : () -> ()
        } else {
        }
      }
      %scan3A_5 = arith.constant 2 : i32
      tpu.yield
    }) : () -> ()
    "tpu.region"() ({
      %run_scoped3A = memref.alloca() : memref<15x2x8x128xf32, #tpu.memory_space<vmem>>
      %scan3A = arith.constant 0 : i32
      %scan3A_1 = arith.constant 0 : i32
      %mul3A_2 = arith.constant 32 : i32
      %mul3A_3 = arith.muli %mul3A_2, %scan3A_1 : i32
      %add3A_4 = arith.addi %add3A, %mul3A_3 : i32
      %shift_right_arithmetic3A = arith.constant 4 : i32
      %shift_right_arithmetic3A_5 = arith.shrsi %add3A_4, %shift_right_arithmetic3A : i32
      %shift_left3A = arith.constant 5 : i32
      %shift_left3A_6 = arith.shli %shift_right_arithmetic3A_5, %shift_left3A : i32
      %and3A = arith.constant 15 : i32
      %and3A_7 = arith.andi %add3A_4, %and3A : i32
      %or3A = arith.ori %shift_left3A_6, %and3A_7 : i32
      %shift_right_arithmetic3A_8 = arith.constant 5 : i32
      %shift_right_arithmetic3A_9 = arith.shrsi %or3A, %shift_right_arithmetic3A_8 : i32
      %and3A_10 = arith.constant 1 : i32
      %and3A_11 = arith.andi %shift_right_arithmetic3A_9, %and3A_10 : i32
      %and3A_12 = arith.constant 3 : i32
      %and3A_13 = arith.andi %or3A, %and3A_12 : i32
      %mul3A_14 = arith.constant 8 : i32
      %mul3A_15 = arith.muli %mul3A_14, %and3A_11 : i32
      %mul3A_16 = arith.constant 452 : i32
      %mul3A_17 = arith.muli %mul3A_16, %and3A_11 : i32
      %mul3A_18 = arith.constant 15 : i32
      %mul3A_19 = arith.muli %mul3A_18, %and3A_13 : i32
      %add3A_20 = arith.addi %mul3A_17, %mul3A_19 : i32
      %mul3A_21 = arith.constant 4 : i32
      %mul3A_22 = arith.muli %mul3A_21, %and3A_11 : i32
      %mul3A_23 = arith.constant 15 : i32
      %mul3A_24 = arith.muli %mul3A_23, %and3A_13 : i32
      %add3A_25 = arith.addi %mul3A_22, %mul3A_24 : i32
      %ge3A = arith.constant 0 : i32
      %ge3A_26 = arith.cmpi sge, %or3A, %ge3A : i32
      %shift_right_arithmetic3A_27 = arith.constant 2 : i32
      %shift_right_arithmetic3A_28 = arith.shrsi %add3A_4, %shift_right_arithmetic3A_27 : i32
      %and3A_29 = arith.constant 3 : i32
      %and3A_30 = arith.andi %shift_right_arithmetic3A_28, %and3A_29 : i32
      %mul3A_31 = arith.constant 2 : i32
      %mul3A_32 = arith.muli %mul3A_31, %and3A_30 : i32
      %add3A_33 = arith.constant 2 : i32
      %add3A_34 = arith.addi %mul3A_32, %add3A_33 : i32
      %mul3A_35 = arith.constant 9 : i32
      %mul3A_36 = arith.muli %mul3A_15, %mul3A_35 : i32
      %add3A_37 = arith.addi %mul3A_36, %add3A_34 : i32
      %lt3A = arith.constant 3 : i32
      %lt3A_38 = arith.cmpi slt, %and3A_30, %lt3A : i32
      %and3A_39 = arith.andi %ge3A_26, %lt3A_38 : i1
      %mul3A_40 = arith.constant 7 : i32
      %mul3A_41 = arith.muli %mul3A_40, %and3A_30 : i32
      %add3A_42 = arith.constant 8 : i32
      %add3A_43 = arith.addi %mul3A_41, %add3A_42 : i32
      %mul3A_44 = arith.constant 64 : i32
      %mul3A_45 = arith.muli %add3A_37, %mul3A_44 : i32
      %add3A_46 = arith.addi %mul3A_45, %add3A_25 : i32
      %lt3A_47 = arith.constant 32 : i32
      %lt3A_48 = arith.cmpi slt, %add3A_4, %lt3A_47 : i32
      %and3A_49 = arith.andi %lt3A_48, %and3A_39 : i1
      %convert_element_type3A = arith.extui %and3A_49 : i1 to i32
      %cond3A = arith.constant 0 : i32
      %cond3A_50 = arith.cmpi ne, %convert_element_type3A, %cond3A : i32
      scf.if %cond3A_50 {
        "tpu.region"() ({
          %run_scoped3A_52 = tpu.sem_alloc : memref<!tpu.dma_semaphore, #tpu.memory_space<semaphore_mem>>
          %dma_start3A = arith.constant 1 : i32
          %dma_start3A_53 = arith.constant 0 : i32
          %dma_start3A_54 = arith.constant 0 : i32
          %dma_start3A_55 = tpu.memref_slice %arg2[%add3A_46, %dma_start3A, %dma_start3A_53, %dma_start3A_54] : memref<5184x4x8x128xf32, #tpu.memory_space<hbm>> -> memref<15x2x8x128xf32, #tpu.memory_space<hbm>>
          %dma_start3A_56 = arith.constant 1 : i32
          %dma_start3A_57 = arith.constant 0 : i32
          %dma_start3A_58 = arith.constant 0 : i32
          %dma_start3A_59 = tpu.memref_slice %arg2[%add3A_46, %dma_start3A_56, %dma_start3A_57, %dma_start3A_58] : memref<5184x4x8x128xf32, #tpu.memory_space<hbm>> -> memref<15x2x8x128xf32, #tpu.memory_space<hbm>>
          tpu.enqueue_dma source(%dma_start3A_59 : memref<15x2x8x128xf32, #tpu.memory_space<hbm>>) target(%run_scoped3A : memref<15x2x8x128xf32, #tpu.memory_space<vmem>>) target_semaphore(%run_scoped3A_52 : memref<!tpu.dma_semaphore, #tpu.memory_space<semaphore_mem>>)
          %dma_wait3A = arith.constant 1 : i32
          %dma_wait3A_60 = arith.constant 0 : i32
          %dma_wait3A_61 = arith.constant 0 : i32
          %dma_wait3A_62 = tpu.memref_slice %arg2[%add3A_46, %dma_wait3A, %dma_wait3A_60, %dma_wait3A_61] : memref<5184x4x8x128xf32, #tpu.memory_space<hbm>> -> memref<15x2x8x128xf32, #tpu.memory_space<hbm>>
          %dma_wait3A_63 = arith.constant 1 : i32
          %dma_wait3A_64 = arith.constant 0 : i32
          %dma_wait3A_65 = arith.constant 0 : i32
          %dma_wait3A_66 = tpu.memref_slice %arg2[%add3A_46, %dma_wait3A_63, %dma_wait3A_64, %dma_wait3A_65] : memref<5184x4x8x128xf32, #tpu.memory_space<hbm>> -> memref<15x2x8x128xf32, #tpu.memory_space<hbm>>
          tpu.wait_dma2 semaphore(%run_scoped3A_52 : memref<!tpu.dma_semaphore, #tpu.memory_space<semaphore_mem>>) src(%dma_wait3A_66 : memref<15x2x8x128xf32, #tpu.memory_space<hbm>>) dst(%run_scoped3A : memref<15x2x8x128xf32, #tpu.memory_space<vmem>>)
          tpu.yield
        }) : () -> ()
        "tpu.region"() ({
          %run_scoped3A_52 = tpu.sem_alloc : memref<!tpu.dma_semaphore, #tpu.memory_space<semaphore_mem>>
          %dma_start3A = arith.constant 0 : i32
          %dma_start3A_53 = arith.constant 0 : i32
          %dma_start3A_54 = tpu.memref_slice %arg3[%add3A_20, %add3A_43, %dma_start3A, %dma_start3A_53] : memref<512x32x8x128xf32, #tpu.memory_space<hbm>> -> memref<15x2x8x128xf32, #tpu.memory_space<hbm>>
          %dma_start3A_55 = arith.constant 0 : i32
          %dma_start3A_56 = arith.constant 0 : i32
          %dma_start3A_57 = tpu.memref_slice %arg3[%add3A_20, %add3A_43, %dma_start3A_55, %dma_start3A_56] : memref<512x32x8x128xf32, #tpu.memory_space<hbm>> -> memref<15x2x8x128xf32, #tpu.memory_space<hbm>>
          tpu.enqueue_dma source(%run_scoped3A : memref<15x2x8x128xf32, #tpu.memory_space<vmem>>) target(%dma_start3A_57 : memref<15x2x8x128xf32, #tpu.memory_space<hbm>>) target_semaphore(%run_scoped3A_52 : memref<!tpu.dma_semaphore, #tpu.memory_space<semaphore_mem>>)
          %dma_wait3A = arith.constant 0 : i32
          %dma_wait3A_58 = arith.constant 0 : i32
          %dma_wait3A_59 = tpu.memref_slice %arg3[%add3A_20, %add3A_43, %dma_wait3A, %dma_wait3A_58] : memref<512x32x8x128xf32, #tpu.memory_space<hbm>> -> memref<15x2x8x128xf32, #tpu.memory_space<hbm>>
          %dma_wait3A_60 = arith.constant 0 : i32
          %dma_wait3A_61 = arith.constant 0 : i32
          %dma_wait3A_62 = tpu.memref_slice %arg3[%add3A_20, %add3A_43, %dma_wait3A_60, %dma_wait3A_61] : memref<512x32x8x128xf32, #tpu.memory_space<hbm>> -> memref<15x2x8x128xf32, #tpu.memory_space<hbm>>
          tpu.wait_dma2 semaphore(%run_scoped3A_52 : memref<!tpu.dma_semaphore, #tpu.memory_space<semaphore_mem>>) src(%run_scoped3A : memref<15x2x8x128xf32, #tpu.memory_space<vmem>>) dst(%dma_wait3A_62 : memref<15x2x8x128xf32, #tpu.memory_space<hbm>>)
          tpu.yield
        }) : () -> ()
      } else {
      }
      %scan3A_51 = arith.constant 1 : i32
      tpu.yield
    }) : () -> ()
    "tpu.region"() ({
      %run_scoped3A = memref.alloca() : memref<15x3x8x128xf32, #tpu.memory_space<vmem>>
      %scan3A = arith.constant 0 : i32
      %scan3A_1 = arith.constant 0 : i32
      %mul3A_2 = arith.constant 32 : i32
      %mul3A_3 = arith.muli %mul3A_2, %scan3A_1 : i32
      %add3A_4 = arith.addi %add3A, %mul3A_3 : i32
      %shift_right_arithmetic3A = arith.constant 3 : i32
      %shift_right_arithmetic3A_5 = arith.shrsi %add3A_4, %shift_right_arithmetic3A : i32
      %shift_left3A = arith.constant 5 : i32
      %shift_left3A_6 = arith.shli %shift_right_arithmetic3A_5, %shift_left3A : i32
      %and3A = arith.constant 7 : i32
      %and3A_7 = arith.andi %add3A_4, %and3A : i32
      %or3A = arith.ori %shift_left3A_6, %and3A_7 : i32
      %shift_right_arithmetic3A_8 = arith.constant 5 : i32
      %shift_right_arithmetic3A_9 = arith.shrsi %or3A, %shift_right_arithmetic3A_8 : i32
      %and3A_10 = arith.constant 1 : i32
      %and3A_11 = arith.andi %shift_right_arithmetic3A_9, %and3A_10 : i32
      %and3A_12 = arith.constant 3 : i32
      %and3A_13 = arith.andi %or3A, %and3A_12 : i32
      %mul3A_14 = arith.constant 8 : i32
      %mul3A_15 = arith.muli %mul3A_14, %and3A_11 : i32
      %mul3A_16 = arith.constant 452 : i32
      %mul3A_17 = arith.muli %mul3A_16, %and3A_11 : i32
      %mul3A_18 = arith.constant 15 : i32
      %mul3A_19 = arith.muli %mul3A_18, %and3A_13 : i32
      %add3A_20 = arith.addi %mul3A_17, %mul3A_19 : i32
      %mul3A_21 = arith.constant 4 : i32
      %mul3A_22 = arith.muli %mul3A_21, %and3A_11 : i32
      %mul3A_23 = arith.constant 15 : i32
      %mul3A_24 = arith.muli %mul3A_23, %and3A_13 : i32
      %add3A_25 = arith.addi %mul3A_22, %mul3A_24 : i32
      %ge3A = arith.constant 0 : i32
      %ge3A_26 = arith.cmpi sge, %or3A, %ge3A : i32
      %shift_right_arithmetic3A_27 = arith.constant 2 : i32
      %shift_right_arithmetic3A_28 = arith.shrsi %add3A_4, %shift_right_arithmetic3A_27 : i32
      %and3A_29 = arith.constant 1 : i32
      %and3A_30 = arith.andi %shift_right_arithmetic3A_28, %and3A_29 : i32
      %mul3A_31 = arith.constant 9 : i32
      %mul3A_32 = arith.muli %mul3A_15, %mul3A_31 : i32
      %mul3A_33 = arith.constant 8 : i32
      %mul3A_34 = arith.muli %mul3A_33, %and3A_30 : i32
      %add3A_35 = arith.addi %mul3A_32, %mul3A_34 : i32
      %mul3A_36 = arith.constant 29 : i32
      %mul3A_37 = arith.muli %mul3A_36, %and3A_30 : i32
      %mul3A_38 = arith.constant 64 : i32
      %mul3A_39 = arith.muli %add3A_35, %mul3A_38 : i32
      %add3A_40 = arith.addi %mul3A_39, %add3A_25 : i32
      %lt3A = arith.constant 16 : i32
      %lt3A_41 = arith.cmpi slt, %add3A_4, %lt3A : i32
      %and3A_42 = arith.andi %lt3A_41, %ge3A_26 : i1
      %convert_element_type3A = arith.extui %and3A_42 : i1 to i32
      %cond3A = arith.constant 0 : i32
      %cond3A_43 = arith.cmpi ne, %convert_element_type3A, %cond3A : i32
      scf.if %cond3A_43 {
        "tpu.region"() ({
          %run_scoped3A_45 = tpu.sem_alloc : memref<!tpu.dma_semaphore, #tpu.memory_space<semaphore_mem>>
          %dma_start3A = arith.constant 0 : i32
          %dma_start3A_46 = arith.constant 0 : i32
          %dma_start3A_47 = tpu.memref_slice %arg2[%add3A_40, %and3A_30, %dma_start3A, %dma_start3A_46] : memref<5184x4x8x128xf32, #tpu.memory_space<hbm>> -> memref<15x3x8x128xf32, #tpu.memory_space<hbm>>
          %dma_start3A_48 = arith.constant 0 : i32
          %dma_start3A_49 = arith.constant 0 : i32
          %dma_start3A_50 = tpu.memref_slice %arg2[%add3A_40, %and3A_30, %dma_start3A_48, %dma_start3A_49] : memref<5184x4x8x128xf32, #tpu.memory_space<hbm>> -> memref<15x3x8x128xf32, #tpu.memory_space<hbm>>
          tpu.enqueue_dma source(%dma_start3A_50 : memref<15x3x8x128xf32, #tpu.memory_space<hbm>>) target(%run_scoped3A : memref<15x3x8x128xf32, #tpu.memory_space<vmem>>) target_semaphore(%run_scoped3A_45 : memref<!tpu.dma_semaphore, #tpu.memory_space<semaphore_mem>>)
          %dma_wait3A = arith.constant 0 : i32
          %dma_wait3A_51 = arith.constant 0 : i32
          %dma_wait3A_52 = tpu.memref_slice %arg2[%add3A_40, %and3A_30, %dma_wait3A, %dma_wait3A_51] : memref<5184x4x8x128xf32, #tpu.memory_space<hbm>> -> memref<15x3x8x128xf32, #tpu.memory_space<hbm>>
          %dma_wait3A_53 = arith.constant 0 : i32
          %dma_wait3A_54 = arith.constant 0 : i32
          %dma_wait3A_55 = tpu.memref_slice %arg2[%add3A_40, %and3A_30, %dma_wait3A_53, %dma_wait3A_54] : memref<5184x4x8x128xf32, #tpu.memory_space<hbm>> -> memref<15x3x8x128xf32, #tpu.memory_space<hbm>>
          tpu.wait_dma2 semaphore(%run_scoped3A_45 : memref<!tpu.dma_semaphore, #tpu.memory_space<semaphore_mem>>) src(%dma_wait3A_55 : memref<15x3x8x128xf32, #tpu.memory_space<hbm>>) dst(%run_scoped3A : memref<15x3x8x128xf32, #tpu.memory_space<vmem>>)
          tpu.yield
        }) : () -> ()
        "tpu.region"() ({
          %run_scoped3A_45 = tpu.sem_alloc : memref<!tpu.dma_semaphore, #tpu.memory_space<semaphore_mem>>
          %dma_start3A = arith.constant 0 : i32
          %dma_start3A_46 = arith.constant 0 : i32
          %dma_start3A_47 = tpu.memref_slice %arg3[%add3A_20, %mul3A_37, %dma_start3A, %dma_start3A_46] : memref<512x32x8x128xf32, #tpu.memory_space<hbm>> -> memref<15x3x8x128xf32, #tpu.memory_space<hbm>>
          %dma_start3A_48 = arith.constant 0 : i32
          %dma_start3A_49 = arith.constant 0 : i32
          %dma_start3A_50 = tpu.memref_slice %arg3[%add3A_20, %mul3A_37, %dma_start3A_48, %dma_start3A_49] : memref<512x32x8x128xf32, #tpu.memory_space<hbm>> -> memref<15x3x8x128xf32, #tpu.memory_space<hbm>>
          tpu.enqueue_dma source(%run_scoped3A : memref<15x3x8x128xf32, #tpu.memory_space<vmem>>) target(%dma_start3A_50 : memref<15x3x8x128xf32, #tpu.memory_space<hbm>>) target_semaphore(%run_scoped3A_45 : memref<!tpu.dma_semaphore, #tpu.memory_space<semaphore_mem>>)
          %dma_wait3A = arith.constant 0 : i32
          %dma_wait3A_51 = arith.constant 0 : i32
          %dma_wait3A_52 = tpu.memref_slice %arg3[%add3A_20, %mul3A_37, %dma_wait3A, %dma_wait3A_51] : memref<512x32x8x128xf32, #tpu.memory_space<hbm>> -> memref<15x3x8x128xf32, #tpu.memory_space<hbm>>
          %dma_wait3A_53 = arith.constant 0 : i32
          %dma_wait3A_54 = arith.constant 0 : i32
          %dma_wait3A_55 = tpu.memref_slice %arg3[%add3A_20, %mul3A_37, %dma_wait3A_53, %dma_wait3A_54] : memref<512x32x8x128xf32, #tpu.memory_space<hbm>> -> memref<15x3x8x128xf32, #tpu.memory_space<hbm>>
          tpu.wait_dma2 semaphore(%run_scoped3A_45 : memref<!tpu.dma_semaphore, #tpu.memory_space<semaphore_mem>>) src(%run_scoped3A : memref<15x3x8x128xf32, #tpu.memory_space<vmem>>) dst(%dma_wait3A_55 : memref<15x3x8x128xf32, #tpu.memory_space<hbm>>)
          tpu.yield
        }) : () -> ()
      } else {
      }
      %scan3A_44 = arith.constant 1 : i32
      tpu.yield
    }) : () -> ()
    return
  }
}

</mosaic_0001>

<sc_bundles>
// kernel: kernel.3.cloned.1.call-start
scs
__scs_entry_jumppad:
0x0: {  	(pc) =	sbr.rel $0x88, $3  }
0x1: {  	(tag) =	ssettag $0x0;
	lr =	simm.s32 $0x1  }
0x2: {  	[smem:$0x3FA0] =	sst lr;
	_ =	strace $0xD0000000  }
0x3: {  	_ = 	snop  }
0x4: {  	_ = 	snop  }
0x5: {  	_ = 	snop  }
0x6: {  	_ = 	snop  }
0x7: {  	_ = 	snop  }
__scs_overlays_trampoline_lowered:
0x8: {  	[smem:$0x3FAF] =	sst s0  }
0x9: {  	[smem:$0x3FB0] =	sst s1  }
0xa: {  	[smem:$0x3FB1] =	sst s2  }
0xb: {  	[smem:$0x3FB2] =	sst s3  }
0xc: {  	[smem:$0x3FB3] =	sst s4  }
0xd: {  	[smem:$0x3FB4] =	sst s5  }
0xe: {  	[smem:$0x3FB5] =	sst s6  }
0xf: {  	[smem:$0x3FB6] =	sst s7  }
0x10: {  	[smem:$0x3FB7] =	sst s8  }
0x11: {  	[smem:$0x3FB8] =	sst s9;
	s0 =	simm.s32 @!p0 $0x0  }
0x12: {  	s1 =	sld [smem:$0x3F9E];
	s0 =	simm.s32 @p0 $0x1  }
0x13: {  	[smem:$0x3FB9] =	sst s0;
	s0 =	simm.s32 @!p1 $0x0  }
0x14: {  	s2 =	sld [smem:$0x3F9D];
	s0 =	simm.s32 @p1 $0x1  }
0x15: {  	[smem:$0x3FBA] =	sst s0;
	s0 =	simm.s32 @!p2 $0x0  }
0x16: {  	s3 =	sld [smem:$0x3FDB];
	s0 =	simm.s32 @p2 $0x1  }
0x17: {  	s4 =	simm.s32 $0x1BF5;
	[smem:$0x3FBC] =	sst s0  }
0x18: {  	s0 =	sld [smem:$0x3F9F];
	_ =	swait.ge [sflag:s4], $0x0  }
0x19: {  	s7 =	sld [smem:$0x3FA0]  }
0x1a: {  	s8 =	sadd.s32 $0xFFFFE003, lr  }
0x1b: {  	s9 =	sadd.s32 $0xFFFFFEF7, lr;
	s5 =	simm.s32 $0xFFFFFFFF;
	p2 =	slt.u32 s8, $0xFFFFF086  }
0x1c: {  	p1 =	slt.u32 s9, $0xF7A;
	s5 =	simm.s32 @!p2 $0x0  }
0x1d: {  	s5 =	simm.s32 @p1 $0x1;
	p0 =	seq.s32 s7, s2  }
0x1e: {  	s7 =	smul.u32 @!p0 $0xF7A, s2;
	p2 =	seq.s32 @!p0 s5, $0x0  }
0x1f: {  	s9 =	smul.u32 $0xF7A, s1;
	s8 =	simm.s32 @!p0 $0x1BF5;
	p2 =	por !p2, p0  }
0x20: {  	[sflag:s8] =	ssyncset.s32 @!p0 $0xFFFFF086;
	s6 =	sadd.s32 @!p0 s3, s7;
	s7 =	simm.s32 @!p0 $0x108  }
0x21: {  	s3 =	sadd.s32 s3, s9;
	s6 =	sadd.s32 @!p0 $0x88, s6;
	s7 =	simm.s32 @p2 $0x1082  }
0x22: {  	[simem:s7], [sflag:s8] =	dma.local @!p0 [hbm:s6], $0xF7A  }
0x23: {  	s9 =	sor.u32 $0xD0000000, s2;
	s6 =	simm.s32 $0x108;
	_ =	swait.ge @!p0 [sflag:s8], $0x0  }
0x24: {  	s3 =	sadd.s32 $0x88, s3;
	s6 =	simm.s32 @!p1 $0x1082;
	[sflag:s4] =	ssyncset.s32 $0xFFFFF086  }
0x25: {  	[simem:s6], [sflag:s4] =	dma.local [hbm:s3], $0xF7A  }
0x26: {  	[smem:$0x3FA0] =	sst s1;
	(tag) =	ssettag s2;
	_ =	strace s9  }
0x27: {  	s1 =	sld [smem:$0x3FB0]  }
0x28: {  	s2 =	sld [smem:$0x3FB1]  }
0x29: {  	s4 =	sld [smem:$0x3FB3]  }
0x2a: {  	p0 =	seq.s32 s5, $0x0;
	s5 =	sld [smem:$0x3FB4]  }
0x2b: {  	s6 =	sld [smem:$0x3FB5]  }
0x2c: {  	s7 =	sld [smem:$0x3FB6]  }
0x2d: {  	s3 =	simm.s32 $0x108;
	s8 =	sld [smem:$0x3FB7]  }
0x2e: {  	s3 =	simm.s32 @!p0 $0x1082;
	s9 =	sld [smem:$0x3FB8]  }
0x2f: {  	lr =	sadd.s32 s0, s3;
	s0 =	sld [smem:$0x3FAF]  }
0x30: {  	s3 =	sld [smem:$0x3FB2]  }
0x31: {  	[smem:$0x3FBB] =	sst s10  }
0x32: {  	s10 =	sld [smem:$0x3FB9];
	_ =	sdelay $0x3  }
0x33: {  	p0 =	seq.s32 s10, $0x1;
	s10 =	sld [smem:$0x3FBB];
	_ =	sdelay $0x3  }
0x34: {  	[smem:$0x3FBB] =	sst s10  }
0x35: {  	s10 =	sld [smem:$0x3FBA];
	_ =	sdelay $0x3  }
0x36: {  	p1 =	seq.s32 s10, $0x1;
	s10 =	sld [smem:$0x3FBB];
	_ =	sdelay $0x3  }
0x37: {  	[smem:$0x3FBB] =	sst s10  }
0x38: {  	s10 =	sld [smem:$0x3FBC]  }
0x39: {  	_ = 	snop;
	(pc) =	sbr.ind lr, $3  }
0x3a: {  	_ = 	snop  }
0x3b: {  	_ = 	snop  }
0x3c: {  	p2 =	seq.s32 s10, $0x1;
	s10 =	sld [smem:$0x3FBB]  }
0x3d: {  	_ =	shalt  }
0x3e: {  	_ =	shalt  }
0x3f: {  	_ =	shalt  }
0x40: {  	_ =	shalt  }
0x41: {  	_ =	shalt  }
0x42: {  	_ =	shalt  }
0x43: {  	_ =	shalt  }
0x44: {  	_ =	shalt  }
0x45: {  	_ =	shalt  }
0x46: {  	_ =	shalt  }
0x47: {  	_ =	shalt  }
0x48: {  	_ =	shalt  }
0x49: {  	_ =	shalt  }
0x4a: {  	_ =	shalt  }
0x4b: {  	_ =	shalt  }
0x4c: {  	_ =	shalt  }
0x4d: {  	_ =	shalt  }
0x4e: {  	_ =	shalt  }
0x4f: {  	_ =	shalt  }
0x50: {  	_ =	shalt  }
0x51: {  	_ =	shalt  }
0x52: {  	_ =	shalt  }
0x53: {  	_ =	shalt  }
0x54: {  	_ =	shalt  }
0x55: {  	_ =	shalt  }
0x56: {  	_ =	shalt  }
0x57: {  	_ =	shalt  }
0x58: {  	_ =	shalt  }
0x59: {  	_ =	shalt  }
0x5a: {  	_ =	shalt  }
0x5b: {  	_ =	shalt  }
0x5c: {  	_ =	shalt  }
0x5d: {  	_ =	shalt  }
0x5e: {  	_ =	shalt  }
0x5f: {  	_ =	shalt  }
0x60: {  	_ =	shalt  }
0x61: {  	_ =	shalt  }
0x62: {  	_ =	shalt  }
0x63: {  	_ =	shalt  }
0x64: {  	_ =	shalt  }
0x65: {  	_ =	shalt  }
0x66: {  	_ =	shalt  }
0x67: {  	_ =	shalt  }
0x68: {  	_ =	shalt  }
0x69: {  	_ =	shalt  }
0x6a: {  	_ =	shalt  }
0x6b: {  	_ =	shalt  }
0x6c: {  	_ =	shalt  }
0x6d: {  	_ =	shalt  }
0x6e: {  	_ =	shalt  }
0x6f: {  	_ =	shalt  }
0x70: {  	_ =	shalt  }
0x71: {  	_ =	shalt  }
0x72: {  	_ =	shalt  }
0x73: {  	_ =	shalt  }
0x74: {  	_ =	shalt  }
0x75: {  	_ =	shalt  }
0x76: {  	_ =	shalt  }
0x77: {  	_ =	shalt  }
0x78: {  	_ =	shalt  }
0x79: {  	_ =	shalt  }
0x7a: {  	_ =	shalt  }
0x7b: {  	_ =	shalt  }
0x7c: {  	_ =	shalt  }
0x7d: {  	_ =	shalt  }
0x7e: {  	_ =	shalt  }
0x7f: {  	_ =	shalt  }
0x80: {  	_ =	shalt  }
0x81: {  	_ =	shalt  }
0x82: {  	_ =	shalt  }
0x83: {  	_ =	shalt  }
0x84: {  	_ =	shalt  }
0x85: {  	_ =	shalt  }
0x86: {  	_ =	shalt  }
0x87: {  	_ =	shalt  }
.Lfunc_end0:
.L_simem_size_0:
called_computation_lowered:
.L_overlay_start_0:
0x88: {  	s2 =	sld [smem:$0x3FD9]  }
0x89: {  	s3 =	sld [smem:$0x3FFE];
	_ =	sdelay $0x1  }
0x8a: {  	s1 =	srdreg.scid  }
0x8b: {  	s0 =	sand.u32 $0x1, s1  }
0x8c: {  	s18 =	sshll.u32 s0, $0xA;
	s2 =	sadd.s32 s3, s2  }
0x8d: {  	s2 =	sadd.s32 s2, s18  }
0x8e: {  	[smem:$0x3FC7] =	sst s2  }
0x8f: {  	_ = 	snop  }
0x90: {  	s2 =	sld [smem:$0x3FC9]  }
0x91: {  	s19 =	sld [smem:$0x3FD0];
	(tm) =	ssettm $0x1  }
0x92: {  	s4 =	sld [smem:$0x3FFB];
	_ =	sdelay $0x3  }
0x93: {  	_ =	strace s4  }
0x94: {  	s4 =	sld [smem:$0x3FFC];
	_ =	sdelay $0x3  }
0x95: {  	_ =	strace s4  }
0x96: {  	s4 =	sld [smem:$0x3FFD];
	_ =	sdelay $0x3  }
0x97: {  	_ =	strace s4  }
0x98: {  	_ =	strace $0x8FFFFFFF  }
0x99: {  	s20 =	sld [smem:$0x3FDB];
	_ =	sdelay $0x1  }
0x9a: {  	s5 =	simm.s32 $_scs_section_size  }
0x9b: {  	s6 =	simm.s32 $_size__tile_overlayer_lowered;
	s7 =	simm.s32 $_tile_overlayer_lowered  }
0x9c: {  	s23 =	simm.s32 $0x1BFF;
	s22 =	sshll.u32 s7, $0x1;
	s4 =	sadd.s32 s5, s20  }
0x9d: {  	s8 =	simm.s32 $0x0;
	s21 =	sshll.u32 s6, $0x1;
	s6 =	sadd.s32 s22, s4  }
0x9e: {  	[timem:s8], [sflag:s23] =	dma.local [hbm:s6], s21  }
0x9f: {  	_ =	swait.ge [sflag:s23], s21  }
0xa0: {  	s5 =	ssub.s32 $0x0, s21;
	[sflag:s23] =	ssyncset.done $0x0  }
0xa1: {  	[sflag:s23] =	ssyncadd.s32 s5;
	_ =	sdelay $0x1  }
0xa2: {  	s24 =	simm.s32 $0x1B8B  }
0xa3: {  	_ =	swait.ge [sflag:s24], $0x1  }
0xa4: {  	[sflag:s24] =	ssyncset.done $0x0  }
0xa5: {  	s25 =	simm.s32 $0x1B8E;
	[sflag:s24] =	ssyncadd.s32 $0xFFFFFFFF  }
0xa6: {  	s26 =	simm.s32 $execute0_lowered;
	[smem:$0x3FD2] =	sst s25  }
0xa7: {  	s5 =	sshll.u32 s26, $0x1;
	_ =	strace $0x80000046;
	[dreg:$0x1] =	wrdreg $0xFFFFFFFF  }
0xa8: {  	s28 =	simm.s32 $_size_execute0_lowered;
	s4 =	sadd.s32 s4, s5;
	[dreg:$0x0] =	wrdreg $0x0  }
0xa9: {  	s5 =	sshll.u32 s28, $0x1;
	[dreg:$0x2] =	wrdreg s4  }
0xaa: {  	[dreg:$0x3] =	wrdreg s5  }
0xab: {  	[dreg:$0x4] =	wrdreg $0xC0  }
0xac: {  	_ =	task [dreg:s8], $0x5FFFF  }
0xad: {  	[dreg:$0x1] =	wrdreg $0xFFFFFFFF  }
0xae: {  	[dreg:$0x0] =	wrdreg $0x60  }
0xaf: {  	[dreg:$0x2] =	wrdreg s2  }
0xb0: {  	[dreg:$0x3] =	wrdreg s19  }
0xb1: {  	[dreg:$0x4] =	wrdreg $0x9  }
0xb2: {  	_ =	task.clear_ibuf [dreg:s8], $0x5FFFF;
	_ =	strace $0x90000046  }
0xb3: {  	s29 =	simm.s32 $0x9;
	_ =	strace $0x80000048  }
0xb4: {  	_ =	swait.ge [sflag:s29], $0x1  }
0xb5: {  	[sflag:s29] =	ssyncadd.s32 $0xFFFFFFFF  }
0xb6: {  	_ =	strace $0x90000048  }
0xb7: {  	_ =	sfence  }
0xb8: {  	s30 =	sld [smem:$0x0];
	_ =	sdelay $0x2  }
0xb9: {  	s31 =	sshll.u32 s1, $0xD;
	s1 =	sshrl.u32 s1, $0x2  }
0xba: {  	s3 =	sand.u32 $0x4000, s31;
	s1 =	sadd.s32 s1, s30  }
0xbb: {  	s0 =	sor.u32 s3, s0;
	s1 =	sshll.u32 s1, $0x11  }
0xbc: {  	s0 =	sor.u32 s1, s0  }
0xbd: {  	s0 =	sadd.s32 $0x8F2B, s0  }
0xbe: {  	[sflag:s0] =	ssyncadd.remote.s32 $0x1  }
0xbf: {  	_ =	sfence.sel $0xFFFF  }
0xc0: {  	[dreg:$0x0] =	wrdreg $0xFFFFFFFF;
	(pc) =	sbr.abs _section_cstart, $3  }
0xc1: {  	[dreg:$0x1] =	wrdreg $0xFFFFFFFF  }
0xc2: {  	_ =	task.clear_ibuf [dreg:s8], $0x2FFFF;
	_ =	strace $0x9FFFFFFF  }
0xc3: {  	(tm) =	ssettm $0x7FFFFFFF  }
tec
execute0_lowered:
.L_overlay_start_1:
0x0: {  	(tag) =	ssettag $0x1  }
0x1: {  	s1 =	stileid.u32  }
0x2: {  	s0 =	srdreg.scid;
	s29 =	rddreg [dreg:$0x0];
	s2 =	sshrl.u32 s1, $0x3  }
0x3: {  	s10 =	sshll.u32 s1, $0x1;
	s7 =	sand.u32 $0x1, s0;
	s8 =	smul.u32 $0xFFFFF400, s2  }
0x4: {  	s23 =	sshrl.u32 s1, $0x1;
	s19 =	sadd.s32 $0x80, s29;
	s24 =	smul.u32 $0xC00, s2  }
0x5: {  	s21 =	sand.u32 $0x2, s10;
	s22 =	ssub.s32 $0x2, s7;
	s13 =	smul.u32 $0x9, s2  }
0x6: {  	s11 =	sshll.u32 s2, $0x5;
	s14 =	sshll.u32 s2, $0xC;
	s16 =	smul.u32 $0x60, s2  }
0x7: {  	s5 =	sand.u32 $0x3, s23;
	s25 =	smul.u32 $0x1200000, s2;
	s10 =	sor.u32 $0x60, s10  }
0x8: {  	s9 =	sor.u32 s7, s21;
	s4 =	sshrl.u32 s22, $0x1;
	s15 =	sshll.u32 s5, $0x1  }
0x9: {  	s21 =	sshll.u32 s2, $0xE;
	p2 =	slt.u32 s10, $0x70;
	s3 =	smul.u32 $0xE, s9  }
0xa: {  	s6 =	smul.u32 $0xE000, s9;
	s0 =	ssub.s32 s22, s4;
	s4 =	ssub.s32 s24, s11  }
0xb: {  	s17 =	sadd.s32 s13, s15;
	s15 =	sand.u32 $0x1, s23;
	s13 =	sshll.u32 s5, $0x13  }
0xc: {  	s30 =	smul.u32 $0xF000, s9;
	s20 =	sshll.u32 s15, $0x9;
	s22 =	sor.u32 s25, s13  }
0xd: {  	s17 =	sshll.u32 s17, $0x12;
	s25 =	smul.u32 $0x38, s2;
	s12 =	sadd.s32 $0x4, s3  }
0xe: {  	s18 =	sadd.s32 $0x4000, s6;
	s3 =	smul.u32 $0xF, s9;
	s21 =	sadd.s32 s21, s30  }
0xf: {  	s6 =	ssub.s32 s8, s11;
	s8 =	ssub.s32 s16, s14;
	s14 =	smul.u32 $0x1C4, s2  }
0x10: {  	s16 =	sshrl.u32 s1, $0x2;
	s9 =	smul.u32 $0x70000, s9;
	s26 =	sor.u32 s21, s22  }
0x11: {  	s28 =	smul.u32 $0x1200, s16;
	s22 =	sand.u32 $0x4, s1;
	s17 =	sadd.s32 s18, s17  }
0x12: {  	s18 =	sor.u32 s13, s18;
	s11 =	sadd.s32 $0x80000, s26;
	s23 =	sadd.s32 $0x2C0000, s17  }
0x13: {  	s26 =	sadd.s32 $0x740000, s17;
	s17 =	sadd.s32 $0xBC0000, s17;
	s18 =	sadd.s32 $0x1040000, s18  }
0x14: {  	s14 =	sadd.s32 s14, s3;
	s11 =	sshrl.u32 s11, $0x3;
	s21 =	sadd.s32 s28, s20  }
0x15: {  	s24 =	sshrl.u32 s23, $0x3;
	s10 =	sshrl.u32 s26, $0x3;
	s11 =	sadd.s32 s11, s19  }
0x16: {  	s17 =	sshrl.u32 s17, $0x3;
	s10 =	sadd.s32 s10, s19;
	[dreg:$0x4] =	wrdreg s11  }
0x17: {  	s28 =	sadd.s32 s17, s19;
	s17 =	sshrl.u32 s18, $0x3;
	[dreg:$0x6] =	wrdreg s10  }
0x18: {  	s18 =	sshll.u32 s1, $0x3;
	s11 =	sadd.s32 s22, s3;
	[dreg:$0x7] =	wrdreg s28  }
0x19: {  	s10 =	sadd.s32 s17, s19;
	s21 =	sor.u32 s21, s11;
	s11 =	sadd.s32 s24, s19  }
0x1a: {  	[dreg:$0x8] =	wrdreg s10;
	s19 =	sshll.u32 s14, $0xF;
	s14 =	sor.u32 $0x80, s18  }
0x1b: {  	s18 =	smul.u32 $0x1C00, s5;
	[dreg:$0x5] =	wrdreg s11;
	s11 =	sadd.s32 s12, s25  }
0x1c: {  	s25 =	sadd.s32 $0x1, s16;
	s28 =	sshrl.u32 s14, $0x5;
	s16 =	smul.u32 $0x1C4, s16  }
0x1d: {  	s21 =	sshll.u32 s21, $0x9;
	p1 =	sgt.u32 s14, $0xDF;
	s22 =	smul.u32 $0x38, s25  }
0x1e: {  	s23 =	smul.u32 $0x240, s25;
	s24 =	sadd.s32 $0x1, s28;
	s25 =	sadd.s32 $0x2000, s18  }
0x1f: {  	s26 =	sshll.u32 s11, $0xF;
	s11 =	sadd.s32 s19, s25;
	s19 =	smul.u32 $0x38, s24  }
0x20: {  	s10 =	sor.u32 s25, s26;
	s9 =	sor.u32 s25, s9;
	s28 =	smul.u32 $0x240, s24  }
0x21: {  	s26 =	sor.u32 s20, s12;
	s24 =	sshll.u32 s15, $0x7;
	s15 =	smul.u32 $0x7400, s15  }
0x22: {  	s25 =	sand.u32 $0x1, s1;
	s16 =	sadd.s32 s16, s3;
	s22 =	sadd.s32 s22, s12  }
0x23: {  	s23 =	sadd.s32 s23, s26;
	s20 =	sadd.s32 s29, s24;
	s16 =	sshll.u32 s16, $0xF  }
0x24: {  	s12 =	sadd.s32 s19, s12;
	s19 =	sadd.s32 s28, s26;
	s28 =	smul.u32 $0x1C000, s25  }
0x25: {  	s21 =	sadd.s32 s21, s20;
	s17 =	sshll.u32 s23, $0x9;
	s23 =	smul.u32 $0xE000, s7  }
0x26: {  	s24 =	sshll.u32 s22, $0xF;
	[dreg:$0x9] =	wrdreg s21;
	s21 =	smul.u32 $0xE0000, s25  }
0x27: {  	s17 =	sadd.s32 s17, s20;
	s26 =	sshll.u32 s19, $0x9;
	s25 =	smul.u32 $0x70000, s7  }
0x28: {  	s7 =	sor.u32 s15, s24;
	s12 =	sshll.u32 s12, $0xF;
	s24 =	sand.u32 $0x6, s1  }
0x29: {  	[dreg:$0xa] =	wrdreg s17;
	s17 =	sadd.s32 s26, s20;
	s26 =	smul.u32 $0xFFFFEFE0, s2  }
0x2a: {  	s13 =	sor.u32 s28, s13;
	s20 =	sor.u32 s15, s16;
	s28 =	smul.u32 $0x3C0, s2  }
0x2b: {  	s16 =	sor.u32 s15, s12;
	s12 =	sor.u32 $0x1, s24;
	s24 =	smul.u32 $0xFA0, s2  }
0x2c: {  	s15 =	rddreg [dreg:$0x1];
	s13 =	sadd.s32 s23, s13;
	s23 =	smul.u32 $0xC20, s2  }
0x2d: {  	[dreg:$0xb] =	wrdreg s17;
	s21 =	sadd.s32 s25, s21;
	s25 =	smul.u32 $0x7F420, s2  }
0x2e: {  	s19 =	sadd.s32 s18, s26;
	s18 =	sor.u32 s18, s21;
	s22 =	sor.u32 s28, s13  }
0x2f: {  	s26 =	sshll.u32 s2, $0xA;
	s28 =	smul.u32 $0xE00, s12;
	s21 =	sshll.u32 s2, $0x6  }
0x30: {  	s23 =	ssub.s32 s13, s23;
	s17 =	ssub.s32 s13, s25;
	s13 =	sor.u32 $0x40, s26  }
0x31: {  	s26 =	smul.u32 $0x1020, s2;
	s24 =	ssub.s32 s18, s24;
	s2 =	ssub.s32 s5, s2  }
0x32: {  	s14 =	sadd.s32 $0x1C20, s19;
	s19 =	sadd.s32 s30, s6;
	s25 =	ssub.s32 s13, s21  }
0x33: {  	s8 =	sadd.s32 s8, s28;
	s28 =	sor.u32 s21, s28;
	s21 =	sor.u32 s21, s18  }
0x34: {  	s13 =	simm.s32 $0x0;
	s2 =	sshll.u32 s2, $0x1;
	s18 =	ssub.s32 s18, s26  }
0x35: {  	[smem:$0x7FF] =	sst s13;
	s26 =	sadd.s32 $0x2, s2;
	s6 =	sor.u32 s30, s25  }
0x36: {  	s25 =	smov.u32 s14;
	s14 =	sadd.s32 $0x200, s28;
	s2 =	sadd.s32 $0xC40, s19  }
0x37: {  	s28 =	sadd.s32 $0xE00, s8;
	_ =	strace $0x80000047;
	[dreg:$0x12] =	wrdreg s2  }
0x38: {  	p3 =	sne.s32 s5, $0x3;
	s0 =	smax.u32 s0, $0x1;
	[dreg:$0x13] =	wrdreg s28  }
0x39: {  	p0 =	seq.s32 s5, $0x3;
	p2 =	por !p3, !p2;
	[dreg:$0x16] =	wrdreg s0  }
0x3a: {  	p3 =	sgt.u32 s1, $0x7;
	p2 =	por !p2, !p2;
	[dreg:$0x3] =	wrdreg s30  }
0x3b: {  	p2 =	por !p2, p0;
	s5 =	sadd.s32 $0x20, s4;
	[dreg:$0xc] =	wrdreg s12  }
0x3c: {  	s4 =	sshrl.u32 s11, $0x3;
	s8 =	sshrl.u32 s20, $0x3;
	[dreg:$0xd] =	wrdreg s26  }
0x3d: {  	s19 =	sadd.s32 $0x1C0000, s10;
	s2 =	sadd.s32 s15, s4;
	[dreg:$0xf] =	wrdreg s25  }
0x3e: {  	s11 =	sadd.s32 s15, s8;
	s20 =	sshrl.u32 s19, $0x3;
	[dreg:$0x10] =	wrdreg s6  }
0x3f: {  	s28 =	sadd.s32 $0x540000, s10;
	s4 =	sadd.s32 $0x8C0000, s10;
	[dreg:$0x11] =	wrdreg s14  }
0x40: {  	s10 =	sadd.s32 $0xC60000, s9;
	s19 =	sshrl.u32 s7, $0x3;
	[dreg:$0x14] =	wrdreg s2  }
0x41: {  	s7 =	sadd.s32 $0x1E1000, s21;
	s9 =	simm.s32 $0xC00;
	[dreg:$0x15] =	wrdreg s11  }
0x42: {  	s0 =	sadd.s32 s15, s20;
	s2 =	sshrl.u32 s28, $0x3;
	s8 =	sshrl.u32 s4, $0x3  }
0x43: {  	s11 =	sshrl.u32 s10, $0x3;
	s20 =	sshrl.u32 s16, $0x3;
	s28 =	sadd.s32 $0x284040, s22  }
0x44: {  	s16 =	sshrl.u32 s7, $0x3;
	[dreg:$0x17] =	wrdreg s0;
	s0 =	sadd.s32 s15, s2  }
0x45: {  	s22 =	sadd.s32 $0x1E1C00, s24;
	s31 =	sadd.s32 s16, s15;
	[dreg:$0x18] =	wrdreg s0  }
0x46: {  	s24 =	sadd.s32 $0x1E1C20, s18;
	s0 =	sadd.s32 s15, s8;
	[dreg:$0x1e] =	wrdreg s31  }
0x47: {  	s2 =	sshrl.u32 s22, $0x3;
	s8 =	smov.u32 s5;
	[dreg:$0x19] =	wrdreg s0  }
0x48: {  	s4 =	sshrl.u32 s28, $0x3;
	s28 =	sadd.s32 s2, s15;
	[dreg:$0xe] =	wrdreg s8  }
0x49: {  	s10 =	simm.s32 $0x2;
	s0 =	sadd.s32 s15, s11;
	[smem:$0x7FC] =	sst s28  }
0x4a: {  	s2 =	simm.s32 $0x0;
	[dreg:$0x1a] =	wrdreg s0;
	s0 =	sadd.s32 s15, s19  }
0x4b: {  	s19 =	sadd.s32 $0x284C40, s23;
	[dreg:$0x1b] =	wrdreg s0;
	s0 =	sadd.s32 s15, s20  }
0x4c: {  	s20 =	sshrl.u32 s19, $0x3;
	[dreg:$0x1c] =	wrdreg s0;
	s0 =	sadd.s32 s4, s29  }
0x4d: {  	s23 =	sadd.s32 $0x2C4020, s17;
	[dreg:$0x1d] =	wrdreg s0;
	s0 =	sadd.s32 s20, s29  }
0x4e: {  	s11 =	simm.s32 $0x60;
	[dreg:$0x1f] =	wrdreg s0;
	s0 =	sshrl.u32 s23, $0x3  }
0x4f: {  	s17 =	simm.s32 $0x20;
	s4 =	sshrl.u32 s24, $0x3;
	s0 =	sadd.s32 s0, s29  }
0x50: {  	s24 =	simm.s32 $0x80;
	s29 =	sadd.s32 s4, s15;
	[smem:$0x7FB] =	sst s0  }
0x51: {  	s20 =	simm.s32 $0x600;
	s23 =	simm.s32 $0x40;
	[smem:$0x7FD] =	sst s29  }
.LBB2_1:
0x52: {  	[smem:$0x7FA] =	sst s2  }
0x53: {  	s22 =	rddreg [dreg:$0x1d];
	s4 =	simm.s32 $0x0  }
.LBB2_2:
0x54: {  	p4 =	seq.s32 s4, $0x188000  }
0x55: {  	s6 =	simm.s32 @!p4 $0x40;
	s14 =	simm.s32 @!p4 $0x80;
	s0 =	simm.s32 @!p4 $0x0  }
0x56: {  	[tilespmem:s0], [sflag:$0x2] =	stream.strided.gather @!p4 [hbm4b:s22+s6], $0x600, s14, s6, $0x38;
	[tilespmem:$0xB400] =	vst v63  }
0x57: {  	s5 =	sadd.s32 @!p4 $0x200, s22;
	s7 =	simm.s32 @!p4 $0x600  }
0x58: {  	[tilespmem:s7], [sflag:$0x2] =	stream.strided.gather @!p4 [hbm4b:s5+s6], $0x600, s14, s6, $0x38;
	[tilespmem:$0xB400] =	vst v63  }
0x59: {  	s2 =	simm.s32 @!p4 $0xC00;
	s5 =	sadd.s32 @!p4 $0x400, s22  }
0x5a: {  	[tilespmem:s2], [sflag:$0x2] =	stream.strided.gather @!p4 [hbm4b:s5+s6], $0x600, s14, s6, $0x38;
	[tilespmem:$0xB400] =	vst v63  }
0x5b: {  	s16 =	simm.s32 @!p4 $0x1200;
	s5 =	sadd.s32 @!p4 $0x600, s22  }
0x5c: {  	[tilespmem:s16], [sflag:$0x2] =	stream.strided.gather @!p4 [hbm4b:s5+s6], $0x600, s14, s6, $0x38;
	[tilespmem:$0xB400] =	vst v63  }
0x5d: {  	s18 =	simm.s32 @!p4 $0x1800;
	s5 =	sadd.s32 @!p4 $0x800, s22  }
0x5e: {  	[tilespmem:s18], [sflag:$0x2] =	stream.strided.gather @!p4 [hbm4b:s5+s6], $0x600, s14, s6, $0x38;
	[tilespmem:$0xB400] =	vst v63  }
0x5f: {  	s19 =	simm.s32 @!p4 $0x1E00;
	s5 =	sadd.s32 @!p4 $0xA00, s22  }
0x60: {  	[tilespmem:s19], [sflag:$0x2] =	stream.strided.gather @!p4 [hbm4b:s5+s6], $0x600, s14, s6, $0x38;
	[tilespmem:$0xB400] =	vst v63  }
0x61: {  	s21 =	simm.s32 @!p4 $0x2400;
	s5 =	sadd.s32 @!p4 $0xC00, s22  }
0x62: {  	[tilespmem:s21], [sflag:$0x2] =	stream.strided.gather @!p4 [hbm4b:s5+s6], $0x600, s14, s6, $0x38;
	[tilespmem:$0xB400] =	vst v63  }
0x63: {  	s1 =	simm.s32 @!p4 $0x2A00;
	s5 =	sadd.s32 @!p4 $0xE00, s22  }
0x64: {  	[tilespmem:s1], [sflag:$0x2] =	stream.strided.gather @!p4 [hbm4b:s5+s6], $0x600, s14, s6, $0x38;
	[tilespmem:$0xB400] =	vst v63  }
0x65: {  	s15 =	simm.s32 @!p4 $0x3000;
	s5 =	sadd.s32 @!p4 $0x1000, s22  }
0x66: {  	[tilespmem:s15], [sflag:$0x2] =	stream.strided.gather @!p4 [hbm4b:s5+s6], $0x600, s14, s6, $0x38;
	[tilespmem:$0xB400] =	vst v63  }
0x67: {  	s12 =	simm.s32 @!p4 $0x3600;
	s5 =	sadd.s32 @!p4 $0x1200, s22  }
0x68: {  	[tilespmem:s12], [sflag:$0x2] =	stream.strided.gather @!p4 [hbm4b:s5+s6], $0x600, s14, s6, $0x38;
	[tilespmem:$0xB400] =	vst v63  }
0x69: {  	s26 =	simm.s32 @!p4 $0x3C00;
	s5 =	sadd.s32 @!p4 $0x1400, s22  }
0x6a: {  	[tilespmem:s26], [sflag:$0x2] =	stream.strided.gather @!p4 [hbm4b:s5+s6], $0x600, s14, s6, $0x38;
	[tilespmem:$0xB400] =	vst v63  }
0x6b: {  	s28 =	simm.s32 @!p4 $0x4200;
	s5 =	sadd.s32 @!p4 $0x1600, s22  }
0x6c: {  	[tilespmem:s28], [sflag:$0x2] =	stream.strided.gather @!p4 [hbm4b:s5+s6], $0x600, s14, s6, $0x38;
	[tilespmem:$0xB400] =	vst v63  }
0x6d: {  	s29 =	simm.s32 @!p4 $0x4800;
	s5 =	sadd.s32 @!p4 $0x1800, s22  }
0x6e: {  	[tilespmem:s29], [sflag:$0x2] =	stream.strided.gather @!p4 [hbm4b:s5+s6], $0x600, s14, s6, $0x38;
	[tilespmem:$0xB400] =	vst v63  }
0x6f: {  	s30 =	simm.s32 @!p4 $0x4E00;
	s5 =	sadd.s32 @!p4 $0x1A00, s22  }
0x70: {  	[tilespmem:s30], [sflag:$0x2] =	stream.strided.gather @!p4 [hbm4b:s5+s6], $0x600, s14, s6, $0x38;
	[tilespmem:$0xB400] =	vst v63  }
0x71: {  	s5 =	simm.s32 @!p4 $0x2  }
0x72: {  	_ =	swait.ge @!p4 [sflag:s5], $0x5400  }
0x73: {  	[sflag:s5] =	ssyncset.done @!p4 $0x0  }
0x74: {  	[sflag:s5] =	ssyncadd.s32 @!p4 $0xFFFFAC00;
	s5 =	sadd.s32 @!p4 s4, s31  }
0x75: {  	[hbm4b:s5+s6] =	stream.strided.scatter @!p4 [tilespmem:s0], [sflag:$0x1], $0x600, s14, s6, $0x38;
	[tilespmem:$0xB400] =	vst v63  }
0x76: {  	s0 =	sadd.s32 @!p4 $0x1000, s5  }
0x77: {  	[hbm4b:s0+s6] =	stream.strided.scatter @!p4 [tilespmem:s7], [sflag:$0x1], $0x600, s14, s6, $0x38;
	[tilespmem:$0xB400] =	vst v63  }
0x78: {  	s0 =	sadd.s32 @!p4 $0x2000, s5  }
0x79: {  	[hbm4b:s0+s6] =	stream.strided.scatter @!p4 [tilespmem:s2], [sflag:$0x1], $0x600, s14, s6, $0x38;
	[tilespmem:$0xB400] =	vst v63  }
0x7a: {  	s0 =	sadd.s32 @!p4 $0x3000, s5  }
0x7b: {  	[hbm4b:s0+s6] =	stream.strided.scatter @!p4 [tilespmem:s16], [sflag:$0x1], $0x600, s14, s6, $0x38;
	[tilespmem:$0xB400] =	vst v63  }
0x7c: {  	s0 =	sadd.s32 @!p4 $0x4000, s5  }
0x7d: {  	[hbm4b:s0+s6] =	stream.strided.scatter @!p4 [tilespmem:s18], [sflag:$0x1], $0x600, s14, s6, $0x38;
	[tilespmem:$0xB400] =	vst v63  }
0x7e: {  	s0 =	sadd.s32 @!p4 $0x5000, s5  }
0x7f: {  	[hbm4b:s0+s6] =	stream.strided.scatter @!p4 [tilespmem:s19], [sflag:$0x1], $0x600, s14, s6, $0x38;
	[tilespmem:$0xB400] =	vst v63  }
0x80: {  	s0 =	sadd.s32 @!p4 $0x6000, s5  }
0x81: {  	[hbm4b:s0+s6] =	stream.strided.scatter @!p4 [tilespmem:s21], [sflag:$0x1], $0x600, s14, s6, $0x38;
	[tilespmem:$0xB400] =	vst v63  }
0x82: {  	s0 =	sadd.s32 @!p4 $0x7000, s5  }
0x83: {  	[hbm4b:s0+s6] =	stream.strided.scatter @!p4 [tilespmem:s1], [sflag:$0x1], $0x600, s14, s6, $0x38;
	[tilespmem:$0xB400] =	vst v63  }
0x84: {  	s0 =	sadd.s32 @!p4 $0x8000, s5  }
0x85: {  	[hbm4b:s0+s6] =	stream.strided.scatter @!p4 [tilespmem:s15], [sflag:$0x1], $0x600, s14, s6, $0x38;
	[tilespmem:$0xB400] =	vst v63  }
0x86: {  	s0 =	sadd.s32 @!p4 $0x9000, s5  }
0x87: {  	[hbm4b:s0+s6] =	stream.strided.scatter @!p4 [tilespmem:s12], [sflag:$0x1], $0x600, s14, s6, $0x38;
	[tilespmem:$0xB400] =	vst v63  }
0x88: {  	s0 =	sadd.s32 @!p4 $0xA000, s5  }
0x89: {  	[hbm4b:s0+s6] =	stream.strided.scatter @!p4 [tilespmem:s26], [sflag:$0x1], $0x600, s14, s6, $0x38;
	[tilespmem:$0xB400] =	vst v63  }
0x8a: {  	s4 =	sadd.s32 @!p4 $0x38000, s4;
	s0 =	sadd.s32 @!p4 $0xB000, s5  }
0x8b: {  	[hbm4b:s0+s6] =	stream.strided.scatter @!p4 [tilespmem:s28], [sflag:$0x1], $0x600, s14, s6, $0x38;
	[tilespmem:$0xB400] =	vst v63  }
0x8c: {  	p5 =	sne.s32 @!p4 s4, $0x1C0000;
	s0 =	sadd.s32 @!p4 $0xC000, s5  }
0x8d: {  	[hbm4b:s0+s6] =	stream.strided.scatter @!p4 [tilespmem:s29], [sflag:$0x1], $0x600, s14, s6, $0x38;
	[tilespmem:$0xB400] =	vst v63  }
0x8e: {  	p5 =	por p4, !p5;
	s0 =	sadd.s32 @!p4 $0xD000, s5  }
0x8f: {  	[hbm4b:s0+s6] =	stream.strided.scatter @!p4 [tilespmem:s30], [sflag:$0x1], $0x600, s14, s6, $0x38;
	[tilespmem:$0xB400] =	vst v63  }
.Ltmp0:
0x90: {  	_ = 	snop;
	(pc) =	sbr.rel @!p5 .LBB2_2-.Ltmp0, $4  }
0x91: {  	s0 =	simm.s32 @!p4 $0x1  }
0x92: {  	_ =	swait.ge @!p4 [sflag:s0], $0x5400  }
0x93: {  	[sflag:s0] =	ssyncset.done @!p4 $0x0  }
0x94: {  	s22 =	sadd.s32 @!p4 $0x48000, s22;
	[sflag:s0] =	ssyncadd.s32 @!p4 $0xFFFFAC00  }
0x95: {  	s4 =	rddreg [dreg:$0x1f]  }
0x96: {  	s22 =	simm.s32 $0x0;
	s8 =	sld [smem:$0x7FC]  }
.LBB2_4:
0x97: {  	p4 =	seq.s32 s22, $0x188000  }
0x98: {  	s6 =	simm.s32 @!p4 $0x20;
	s14 =	simm.s32 @!p4 $0x80;
	s0 =	simm.s32 @!p4 $0x0  }
0x99: {  	[tilespmem:s0], [sflag:$0x2] =	stream.strided.gather @!p4 [hbm4b:s4+s6], $0x100, s14, s6, $0x38;
	[tilespmem:$0xB400] =	vst v63  }
0x9a: {  	s1 =	sadd.s32 @!p4 $0x200, s4;
	s2 =	simm.s32 @!p4 $0x100  }
0x9b: {  	[tilespmem:s2], [sflag:$0x2] =	stream.strided.gather @!p4 [hbm4b:s1+s6], $0x100, s14, s6, $0x38;
	[tilespmem:$0xB400] =	vst v63  }
0x9c: {  	s5 =	simm.s32 @!p4 $0x200;
	s1 =	sadd.s32 @!p4 $0x400, s4  }
0x9d: {  	[tilespmem:s5], [sflag:$0x2] =	stream.strided.gather @!p4 [hbm4b:s1+s6], $0x100, s14, s6, $0x38;
	[tilespmem:$0xB400] =	vst v63  }
0x9e: {  	s7 =	simm.s32 @!p4 $0x300;
	s1 =	sadd.s32 @!p4 $0x600, s4  }
0x9f: {  	[tilespmem:s7], [sflag:$0x2] =	stream.strided.gather @!p4 [hbm4b:s1+s6], $0x100, s14, s6, $0x38;
	[tilespmem:$0xB400] =	vst v63  }
0xa0: {  	s12 =	simm.s32 @!p4 $0x400;
	s1 =	sadd.s32 @!p4 $0x800, s4  }
0xa1: {  	[tilespmem:s12], [sflag:$0x2] =	stream.strided.gather @!p4 [hbm4b:s1+s6], $0x100, s14, s6, $0x38;
	[tilespmem:$0xB400] =	vst v63  }
0xa2: {  	s15 =	simm.s32 @!p4 $0x500;
	s1 =	sadd.s32 @!p4 $0xA00, s4  }
0xa3: {  	[tilespmem:s15], [sflag:$0x2] =	stream.strided.gather @!p4 [hbm4b:s1+s6], $0x100, s14, s6, $0x38;
	[tilespmem:$0xB400] =	vst v63  }
0xa4: {  	s16 =	simm.s32 @!p4 $0x600;
	s1 =	sadd.s32 @!p4 $0xC00, s4  }
0xa5: {  	[tilespmem:s16], [sflag:$0x2] =	stream.strided.gather @!p4 [hbm4b:s1+s6], $0x100, s14, s6, $0x38;
	[tilespmem:$0xB400] =	vst v63  }
0xa6: {  	s18 =	simm.s32 @!p4 $0x700;
	s1 =	sadd.s32 @!p4 $0xE00, s4  }
0xa7: {  	[tilespmem:s18], [sflag:$0x2] =	stream.strided.gather @!p4 [hbm4b:s1+s6], $0x100, s14, s6, $0x38;
	[tilespmem:$0xB400] =	vst v63  }
0xa8: {  	s19 =	simm.s32 @!p4 $0x800;
	s1 =	sadd.s32 @!p4 $0x1000, s4  }
0xa9: {  	[tilespmem:s19], [sflag:$0x2] =	stream.strided.gather @!p4 [hbm4b:s1+s6], $0x100, s14, s6, $0x38;
	[tilespmem:$0xB400] =	vst v63  }
0xaa: {  	s21 =	simm.s32 @!p4 $0x900;
	s1 =	sadd.s32 @!p4 $0x1200, s4  }
0xab: {  	[tilespmem:s21], [sflag:$0x2] =	stream.strided.gather @!p4 [hbm4b:s1+s6], $0x100, s14, s6, $0x38;
	[tilespmem:$0xB400] =	vst v63  }
0xac: {  	s26 =	simm.s32 @!p4 $0xA00;
	s1 =	sadd.s32 @!p4 $0x1400, s4  }
0xad: {  	[tilespmem:s26], [sflag:$0x2] =	stream.strided.gather @!p4 [hbm4b:s1+s6], $0x100, s14, s6, $0x38;
	[tilespmem:$0xB400] =	vst v63  }
0xae: {  	s28 =	simm.s32 @!p4 $0xB00;
	s1 =	sadd.s32 @!p4 $0x1600, s4  }
0xaf: {  	[tilespmem:s28], [sflag:$0x2] =	stream.strided.gather @!p4 [hbm4b:s1+s6], $0x100, s14, s6, $0x38;
	[tilespmem:$0xB400] =	vst v63  }
0xb0: {  	s29 =	simm.s32 @!p4 $0xC00;
	s1 =	sadd.s32 @!p4 $0x1800, s4  }
0xb1: {  	[tilespmem:s29], [sflag:$0x2] =	stream.strided.gather @!p4 [hbm4b:s1+s6], $0x100, s14, s6, $0x38;
	[tilespmem:$0xB400] =	vst v63  }
0xb2: {  	s30 =	simm.s32 @!p4 $0xD00;
	s1 =	sadd.s32 @!p4 $0x1A00, s4  }
0xb3: {  	[tilespmem:s30], [sflag:$0x2] =	stream.strided.gather @!p4 [hbm4b:s1+s6], $0x100, s14, s6, $0x38;
	[tilespmem:$0xB400] =	vst v63  }
0xb4: {  	s1 =	simm.s32 @!p4 $0x2  }
0xb5: {  	_ =	swait.ge @!p4 [sflag:s1], $0xE00  }
0xb6: {  	[sflag:s1] =	ssyncset.done @!p4 $0x0  }
0xb7: {  	[sflag:s1] =	ssyncadd.s32 @!p4 $0xFFFFF200;
	s1 =	sadd.s32 @!p4 s22, s8  }
0xb8: {  	[hbm4b:s1+s6] =	stream.strided.scatter @!p4 [tilespmem:s0], [sflag:$0x1], $0x100, s14, s6, $0x38;
	[tilespmem:$0xB400] =	vst v63  }
0xb9: {  	s0 =	sadd.s32 @!p4 $0x1000, s1  }
0xba: {  	[hbm4b:s0+s6] =	stream.strided.scatter @!p4 [tilespmem:s2], [sflag:$0x1], $0x100, s14, s6, $0x38;
	[tilespmem:$0xB400] =	vst v63  }
0xbb: {  	s0 =	sadd.s32 @!p4 $0x2000, s1  }
0xbc: {  	[hbm4b:s0+s6] =	stream.strided.scatter @!p4 [tilespmem:s5], [sflag:$0x1], $0x100, s14, s6, $0x38;
	[tilespmem:$0xB400] =	vst v63  }
0xbd: {  	s0 =	sadd.s32 @!p4 $0x3000, s1  }
0xbe: {  	[hbm4b:s0+s6] =	stream.strided.scatter @!p4 [tilespmem:s7], [sflag:$0x1], $0x100, s14, s6, $0x38;
	[tilespmem:$0xB400] =	vst v63  }
0xbf: {  	s0 =	sadd.s32 @!p4 $0x4000, s1  }
0xc0: {  	[hbm4b:s0+s6] =	stream.strided.scatter @!p4 [tilespmem:s12], [sflag:$0x1], $0x100, s14, s6, $0x38;
	[tilespmem:$0xB400] =	vst v63  }
0xc1: {  	s0 =	sadd.s32 @!p4 $0x5000, s1  }
0xc2: {  	[hbm4b:s0+s6] =	stream.strided.scatter @!p4 [tilespmem:s15], [sflag:$0x1], $0x100, s14, s6, $0x38;
	[tilespmem:$0xB400] =	vst v63  }
0xc3: {  	s0 =	sadd.s32 @!p4 $0x6000, s1  }
0xc4: {  	[hbm4b:s0+s6] =	stream.strided.scatter @!p4 [tilespmem:s16], [sflag:$0x1], $0x100, s14, s6, $0x38;
	[tilespmem:$0xB400] =	vst v63  }
0xc5: {  	s0 =	sadd.s32 @!p4 $0x7000, s1  }
0xc6: {  	[hbm4b:s0+s6] =	stream.strided.scatter @!p4 [tilespmem:s18], [sflag:$0x1], $0x100, s14, s6, $0x38;
	[tilespmem:$0xB400] =	vst v63  }
0xc7: {  	s0 =	sadd.s32 @!p4 $0x8000, s1  }
0xc8: {  	[hbm4b:s0+s6] =	stream.strided.scatter @!p4 [tilespmem:s19], [sflag:$0x1], $0x100, s14, s6, $0x38;
	[tilespmem:$0xB400] =	vst v63  }
0xc9: {  	s0 =	sadd.s32 @!p4 $0x9000, s1  }
0xca: {  	[hbm4b:s0+s6] =	stream.strided.scatter @!p4 [tilespmem:s21], [sflag:$0x1], $0x100, s14, s6, $0x38;
	[tilespmem:$0xB400] =	vst v63  }
0xcb: {  	s0 =	sadd.s32 @!p4 $0xA000, s1  }
0xcc: {  	[hbm4b:s0+s6] =	stream.strided.scatter @!p4 [tilespmem:s26], [sflag:$0x1], $0x100, s14, s6, $0x38;
	[tilespmem:$0xB400] =	vst v63  }
0xcd: {  	s22 =	sadd.s32 @!p4 $0x38000, s22;
	s0 =	sadd.s32 @!p4 $0xB000, s1  }
0xce: {  	[hbm4b:s0+s6] =	stream.strided.scatter @!p4 [tilespmem:s28], [sflag:$0x1], $0x100, s14, s6, $0x38;
	[tilespmem:$0xB400] =	vst v63  }
0xcf: {  	p5 =	sne.s32 @!p4 s22, $0x1C0000;
	s0 =	sadd.s32 @!p4 $0xC000, s1  }
0xd0: {  	[hbm4b:s0+s6] =	stream.strided.scatter @!p4 [tilespmem:s29], [sflag:$0x1], $0x100, s14, s6, $0x38;
	[tilespmem:$0xB400] =	vst v63  }
0xd1: {  	p5 =	por p4, !p5;
	s0 =	sadd.s32 @!p4 $0xD000, s1  }
0xd2: {  	[hbm4b:s0+s6] =	stream.strided.scatter @!p4 [tilespmem:s30], [sflag:$0x1], $0x100, s14, s6, $0x38;
	[tilespmem:$0xB400] =	vst v63  }
.Ltmp1:
0xd3: {  	_ = 	snop;
	(pc) =	sbr.rel @!p5 .LBB2_4-.Ltmp1, $4  }
0xd4: {  	s0 =	simm.s32 @!p4 $0x1  }
0xd5: {  	_ =	swait.ge @!p4 [sflag:s0], $0xE00  }
0xd6: {  	[sflag:s0] =	ssyncset.done @!p4 $0x0  }
0xd7: {  	s4 =	sadd.s32 @!p4 $0x48000, s4;
	[sflag:s0] =	ssyncadd.s32 @!p4 $0xFFFFF200  }
0xd8: {  	s4 =	sld [smem:$0x7FB]  }
0xd9: {  	s22 =	simm.s32 $0x0;
	s31 =	sld [smem:$0x7FD]  }
.LBB2_6:
0xda: {  	p4 =	seq.s32 s22, $0x188000  }
0xdb: {  	s6 =	simm.s32 @!p4 $0x60;
	s14 =	simm.s32 @!p4 $0x80;
	s0 =	simm.s32 @!p4 $0x0  }
0xdc: {  	[tilespmem:s0], [sflag:$0x2] =	stream.strided.gather @!p4 [hbm4b:s4+s6], $0x300, s14, s6, $0x38;
	[tilespmem:$0xB400] =	vst v63  }
0xdd: {  	s1 =	sadd.s32 @!p4 $0x200, s4;
	s2 =	simm.s32 @!p4 $0x300  }
0xde: {  	[tilespmem:s2], [sflag:$0x2] =	stream.strided.gather @!p4 [hbm4b:s1+s6], $0x300, s14, s6, $0x38;
	[tilespmem:$0xB400] =	vst v63  }
0xdf: {  	s5 =	simm.s32 @!p4 $0x600;
	s1 =	sadd.s32 @!p4 $0x400, s4  }
0xe0: {  	[tilespmem:s5], [sflag:$0x2] =	stream.strided.gather @!p4 [hbm4b:s1+s6], $0x300, s14, s6, $0x38;
	[tilespmem:$0xB400] =	vst v63  }
0xe1: {  	s7 =	simm.s32 @!p4 $0x900;
	s1 =	sadd.s32 @!p4 $0x600, s4  }
0xe2: {  	[tilespmem:s7], [sflag:$0x2] =	stream.strided.gather @!p4 [hbm4b:s1+s6], $0x300, s14, s6, $0x38;
	[tilespmem:$0xB400] =	vst v63  }
0xe3: {  	s12 =	simm.s32 @!p4 $0xC00;
	s1 =	sadd.s32 @!p4 $0x800, s4  }
0xe4: {  	[tilespmem:s12], [sflag:$0x2] =	stream.strided.gather @!p4 [hbm4b:s1+s6], $0x300, s14, s6, $0x38;
	[tilespmem:$0xB400] =	vst v63  }
0xe5: {  	s15 =	simm.s32 @!p4 $0xF00;
	s1 =	sadd.s32 @!p4 $0xA00, s4  }
0xe6: {  	[tilespmem:s15], [sflag:$0x2] =	stream.strided.gather @!p4 [hbm4b:s1+s6], $0x300, s14, s6, $0x38;
	[tilespmem:$0xB400] =	vst v63  }
0xe7: {  	s16 =	simm.s32 @!p4 $0x1200;
	s1 =	sadd.s32 @!p4 $0xC00, s4  }
0xe8: {  	[tilespmem:s16], [sflag:$0x2] =	stream.strided.gather @!p4 [hbm4b:s1+s6], $0x300, s14, s6, $0x38;
	[tilespmem:$0xB400] =	vst v63  }
0xe9: {  	s18 =	simm.s32 @!p4 $0x1500;
	s1 =	sadd.s32 @!p4 $0xE00, s4  }
0xea: {  	[tilespmem:s18], [sflag:$0x2] =	stream.strided.gather @!p4 [hbm4b:s1+s6], $0x300, s14, s6, $0x38;
	[tilespmem:$0xB400] =	vst v63  }
0xeb: {  	s19 =	simm.s32 @!p4 $0x1800;
	s1 =	sadd.s32 @!p4 $0x1000, s4  }
0xec: {  	[tilespmem:s19], [sflag:$0x2] =	stream.strided.gather @!p4 [hbm4b:s1+s6], $0x300, s14, s6, $0x38;
	[tilespmem:$0xB400] =	vst v63  }
0xed: {  	s21 =	simm.s32 @!p4 $0x1B00;
	s1 =	sadd.s32 @!p4 $0x1200, s4  }
0xee: {  	[tilespmem:s21], [sflag:$0x2] =	stream.strided.gather @!p4 [hbm4b:s1+s6], $0x300, s14, s6, $0x38;
	[tilespmem:$0xB400] =	vst v63  }
0xef: {  	s26 =	simm.s32 @!p4 $0x1E00;
	s1 =	sadd.s32 @!p4 $0x1400, s4  }
0xf0: {  	[tilespmem:s26], [sflag:$0x2] =	stream.strided.gather @!p4 [hbm4b:s1+s6], $0x300, s14, s6, $0x38;
	[tilespmem:$0xB400] =	vst v63  }
0xf1: {  	s28 =	simm.s32 @!p4 $0x2100;
	s1 =	sadd.s32 @!p4 $0x1600, s4  }
0xf2: {  	[tilespmem:s28], [sflag:$0x2] =	stream.strided.gather @!p4 [hbm4b:s1+s6], $0x300, s14, s6, $0x38;
	[tilespmem:$0xB400] =	vst v63  }
0xf3: {  	s29 =	simm.s32 @!p4 $0x2400;
	s1 =	sadd.s32 @!p4 $0x1800, s4  }
0xf4: {  	[tilespmem:s29], [sflag:$0x2] =	stream.strided.gather @!p4 [hbm4b:s1+s6], $0x300, s14, s6, $0x38;
	[tilespmem:$0xB400] =	vst v63  }
0xf5: {  	s30 =	simm.s32 @!p4 $0x2700;
	s1 =	sadd.s32 @!p4 $0x1A00, s4  }
0xf6: {  	[tilespmem:s30], [sflag:$0x2] =	stream.strided.gather @!p4 [hbm4b:s1+s6], $0x300, s14, s6, $0x38;
	[tilespmem:$0xB400] =	vst v63  }
0xf7: {  	s1 =	simm.s32 @!p4 $0x2  }
0xf8: {  	_ =	swait.ge @!p4 [sflag:s1], $0x2A00  }
0xf9: {  	[sflag:s1] =	ssyncset.done @!p4 $0x0  }
0xfa: {  	[sflag:s1] =	ssyncadd.s32 @!p4 $0xFFFFD600;
	s1 =	sadd.s32 @!p4 s22, s31  }
0xfb: {  	[hbm4b:s1+s6] =	stream.strided.scatter @!p4 [tilespmem:s0], [sflag:$0x1], $0x300, s14, s6, $0x38;
	[tilespmem:$0xB400] =	vst v63  }
0xfc: {  	s0 =	sadd.s32 @!p4 $0x1000, s1  }
0xfd: {  	[hbm4b:s0+s6] =	stream.strided.scatter @!p4 [tilespmem:s2], [sflag:$0x1], $0x300, s14, s6, $0x38;
	[tilespmem:$0xB400] =	vst v63  }
0xfe: {  	s0 =	sadd.s32 @!p4 $0x2000, s1  }
0xff: {  	[hbm4b:s0+s6] =	stream.strided.scatter @!p4 [tilespmem:s5], [sflag:$0x1], $0x300, s14, s6, $0x38;
	[tilespmem:$0xB400] =	vst v63  }
0x100: {  	s0 =	sadd.s32 @!p4 $0x3000, s1  }
0x101: {  	[hbm4b:s0+s6] =	stream.strided.scatter @!p4 [tilespmem:s7], [sflag:$0x1], $0x300, s14, s6, $0x38;
	[tilespmem:$0xB400] =	vst v63  }
0x102: {  	s0 =	sadd.s32 @!p4 $0x4000, s1  }
0x103: {  	[hbm4b:s0+s6] =	stream.strided.scatter @!p4 [tilespmem:s12], [sflag:$0x1], $0x300, s14, s6, $0x38;
	[tilespmem:$0xB400] =	vst v63  }
0x104: {  	s0 =	sadd.s32 @!p4 $0x5000, s1  }
0x105: {  	[hbm4b:s0+s6] =	stream.strided.scatter @!p4 [tilespmem:s15], [sflag:$0x1], $0x300, s14, s6, $0x38;
	[tilespmem:$0xB400] =	vst v63  }
0x106: {  	s0 =	sadd.s32 @!p4 $0x6000, s1  }
0x107: {  	[hbm4b:s0+s6] =	stream.strided.scatter @!p4 [tilespmem:s16], [sflag:$0x1], $0x300, s14, s6, $0x38;
	[tilespmem:$0xB400] =	vst v63  }
0x108: {  	s0 =	sadd.s32 @!p4 $0x7000, s1  }
0x109: {  	[hbm4b:s0+s6] =	stream.strided.scatter @!p4 [tilespmem:s18], [sflag:$0x1], $0x300, s14, s6, $0x38;
	[tilespmem:$0xB400] =	vst v63  }
0x10a: {  	s0 =	sadd.s32 @!p4 $0x8000, s1  }
0x10b: {  	[hbm4b:s0+s6] =	stream.strided.scatter @!p4 [tilespmem:s19], [sflag:$0x1], $0x300, s14, s6, $0x38;
	[tilespmem:$0xB400] =	vst v63  }
0x10c: {  	s0 =	sadd.s32 @!p4 $0x9000, s1  }
0x10d: {  	[hbm4b:s0+s6] =	stream.strided.scatter @!p4 [tilespmem:s21], [sflag:$0x1], $0x300, s14, s6, $0x38;
	[tilespmem:$0xB400] =	vst v63  }
0x10e: {  	s0 =	sadd.s32 @!p4 $0xA000, s1  }
0x10f: {  	[hbm4b:s0+s6] =	stream.strided.scatter @!p4 [tilespmem:s26], [sflag:$0x1], $0x300, s14, s6, $0x38;
	[tilespmem:$0xB400] =	vst v63  }
0x110: {  	s22 =	sadd.s32 @!p4 $0x38000, s22;
	s0 =	sadd.s32 @!p4 $0xB000, s1  }
0x111: {  	[hbm4b:s0+s6] =	stream.strided.scatter @!p4 [tilespmem:s28], [sflag:$0x1], $0x300, s14, s6, $0x38;
	[tilespmem:$0xB400] =	vst v63  }
0x112: {  	p5 =	sne.s32 @!p4 s22, $0x1C0000;
	s0 =	sadd.s32 @!p4 $0xC000, s1  }
0x113: {  	[hbm4b:s0+s6] =	stream.strided.scatter @!p4 [tilespmem:s29], [sflag:$0x1], $0x300, s14, s6, $0x38;
	[tilespmem:$0xB400] =	vst v63  }
0x114: {  	p5 =	por p4, !p5;
	s0 =	sadd.s32 @!p4 $0xD000, s1  }
0x115: {  	[hbm4b:s0+s6] =	stream.strided.scatter @!p4 [tilespmem:s30], [sflag:$0x1], $0x300, s14, s6, $0x38;
	[tilespmem:$0xB400] =	vst v63  }
.Ltmp2:
0x116: {  	_ = 	snop;
	(pc) =	sbr.rel @!p5 .LBB2_6-.Ltmp2, $4  }
0x117: {  	s0 =	simm.s32 @!p4 $0x1  }
0x118: {  	_ =	swait.ge @!p4 [sflag:s0], $0x2A00  }
0x119: {  	[sflag:s0] =	ssyncset.done @!p4 $0x0  }
0x11a: {  	s4 =	sadd.s32 @!p4 $0x48000, s4;
	[sflag:s0] =	ssyncadd.s32 @!p4 $0xFFFFD600  }
0x11b: {  	s0 =	simm.s32 @!p0 $0x800  }
0x11c: {  	s1 =	simm.s32 @!p0 $0x1000;
	s2 =	simm.s32 @!p0 $0x0;
	s4 =	rddreg [dreg:$0x5]  }
0x11d: {  	[tilespmem:s2], [sflag:$0x2] =	stream.strided.gather @!p0 [hbm4b:s4+s0], $0x7000, s1, s0, $0x38;
	[tilespmem:$0xB400] =	vst v63  }
0x11e: {  	s4 =	simm.s32 @!p0 $0x2  }
0x11f: {  	_ =	swait.ge @!p0 [sflag:s4], $0x7000  }
0x120: {  	[sflag:s4] =	ssyncset.done @!p0 $0x0  }
0x121: {  	s5 =	simm.s32 @!p0 $0x8000;
	s6 =	rddreg [dreg:$0x17];
	[sflag:s4] =	ssyncadd.s32 @!p0 $0xFFFF9000  }
0x122: {  	[hbm4b:s6+s0] =	stream.strided.scatter @!p0 [tilespmem:s2], [sflag:$0x1], $0x7000, s5, s0, $0x38;
	[tilespmem:$0xB400] =	vst v63  }
0x123: {  	s6 =	simm.s32 @!p0 $0x1  }
0x124: {  	_ =	swait.ge @!p0 [sflag:s6], $0x7000  }
0x125: {  	[sflag:s6] =	ssyncset.done @!p0 $0x0  }
0x126: {  	s7 =	rddreg [dreg:$0x6];
	[sflag:s6] =	ssyncadd.s32 @!p0 $0xFFFF9000  }
0x127: {  	[tilespmem:s2], [sflag:$0x2] =	stream.strided.gather @!p0 [hbm4b:s7+s0], $0x7000, s1, s0, $0x38;
	[tilespmem:$0xB400] =	vst v63  }
0x128: {  	_ =	swait.ge @!p0 [sflag:s4], $0x7000  }
0x129: {  	[sflag:s4] =	ssyncset.done @!p0 $0x0  }
0x12a: {  	s7 =	rddreg [dreg:$0x18];
	[sflag:s4] =	ssyncadd.s32 @!p0 $0xFFFF9000  }
0x12b: {  	[hbm4b:s7+s0] =	stream.strided.scatter @!p0 [tilespmem:s2], [sflag:$0x1], $0x7000, s5, s0, $0x38;
	[tilespmem:$0xB400] =	vst v63  }
0x12c: {  	_ =	swait.ge @!p0 [sflag:s6], $0x7000  }
0x12d: {  	[sflag:s6] =	ssyncset.done @!p0 $0x0  }
0x12e: {  	s7 =	rddreg [dreg:$0x7];
	[sflag:s6] =	ssyncadd.s32 @!p0 $0xFFFF9000  }
0x12f: {  	[tilespmem:s2], [sflag:$0x2] =	stream.strided.gather @!p0 [hbm4b:s7+s0], $0x7000, s1, s0, $0x38;
	[tilespmem:$0xB400] =	vst v63  }
0x130: {  	_ =	swait.ge @!p0 [sflag:s4], $0x7000  }
0x131: {  	[sflag:s4] =	ssyncset.done @!p0 $0x0  }
0x132: {  	s1 =	rddreg [dreg:$0x19];
	[sflag:s4] =	ssyncadd.s32 @!p0 $0xFFFF9000  }
0x133: {  	[hbm4b:s1+s0] =	stream.strided.scatter @!p0 [tilespmem:s2], [sflag:$0x1], $0x7000, s5, s0, $0x38;
	[tilespmem:$0xB400] =	vst v63  }
0x134: {  	_ =	swait.ge @!p0 [sflag:s6], $0x7000  }
0x135: {  	s0 =	simm.s32 @!p2 $0x800;
	s1 =	simm.s32 @!p2 $0x1000;
	[sflag:s6] =	ssyncset.done @!p0 $0x0  }
0x136: {  	s2 =	simm.s32 @!p2 $0x0;
	s4 =	rddreg [dreg:$0x8];
	[sflag:s6] =	ssyncadd.s32 @!p0 $0xFFFF9000  }
0x137: {  	[tilespmem:s2], [sflag:$0x2] =	stream.strided.gather @!p2 [hbm4b:s4+s0], $0x7000, s1, s0, $0x38;
	[tilespmem:$0xB400] =	vst v63  }
0x138: {  	s1 =	simm.s32 @!p2 $0x2  }
0x139: {  	_ =	swait.ge @!p2 [sflag:s1], $0x7000  }
0x13a: {  	[sflag:s1] =	ssyncset.done @!p2 $0x0  }
0x13b: {  	s4 =	rddreg [dreg:$0x1a];
	[sflag:s1] =	ssyncadd.s32 @!p2 $0xFFFF9000;
	s1 =	simm.s32 @!p2 $0x8000  }
0x13c: {  	[hbm4b:s4+s0] =	stream.strided.scatter @!p2 [tilespmem:s2], [sflag:$0x1], $0x7000, s1, s0, $0x38;
	[tilespmem:$0xB400] =	vst v63  }
0x13d: {  	s0 =	simm.s32 @!p2 $0x1  }
0x13e: {  	_ =	swait.ge @!p2 [sflag:s0], $0x7000  }
0x13f: {  	[sflag:s0] =	ssyncset.done @!p2 $0x0  }
0x140: {  	s22 =	simm.s32 $0x1000;
	s21 =	rddreg [dreg:$0xa];
	[sflag:s0] =	ssyncadd.s32 @!p2 $0xFFFF9000  }
0x141: {  	[tilespmem:s13], [sflag:$0x2] =	stream.strided.gather [hbm4b:s21+s9], $0xA800, s22, s9, $0x38;
	[tilespmem:$0xB400] =	vst v63  }
0x142: {  	_ =	swait.ge [sflag:s10], $0xA800  }
0x143: {  	s26 =	simm.s32 $0x8000;
	[sflag:s10] =	ssyncset.done $0x0  }
0x144: {  	s28 =	simm.s32 $0x1;
	s25 =	rddreg [dreg:$0x1b];
	[sflag:s10] =	ssyncadd.s32 $0xFFFF5800  }
0x145: {  	[hbm4b:s25+s9] =	stream.strided.scatter [tilespmem:s13], [sflag:$0x1], $0xA800, s26, s9, $0x38;
	[tilespmem:$0xB400] =	vst v63  }
0x146: {  	_ =	swait.ge [sflag:s28], $0xA800  }
0x147: {  	s1 =	simm.s32 @!p1 $0x1000;
	s2 =	simm.s32 @!p1 $0x0;
	[sflag:s28] =	ssyncset.done $0x0  }
0x148: {  	s0 =	simm.s32 @!p1 $0xC00;
	s4 =	rddreg [dreg:$0xb];
	[sflag:s28] =	ssyncadd.s32 $0xFFFF5800  }
0x149: {  	[tilespmem:s2], [sflag:$0x2] =	stream.strided.gather @!p1 [hbm4b:s4+s0], $0xA800, s1, s0, $0x38;
	[tilespmem:$0xB400] =	vst v63  }
0x14a: {  	s1 =	simm.s32 @!p1 $0x2  }
0x14b: {  	_ =	swait.ge @!p1 [sflag:s1], $0xA800  }
0x14c: {  	p4 =	por $0x1, $0x1;
	s29 =	simm.s32 $0x1E00;
	[sflag:s1] =	ssyncset.done @!p1 $0x0  }
0x14d: {  	s4 =	rddreg [dreg:$0x1c];
	[sflag:s1] =	ssyncadd.s32 @!p1 $0xFFFF5800;
	s1 =	simm.s32 @!p1 $0x8000  }
0x14e: {  	[hbm4b:s4+s0] =	stream.strided.scatter @!p1 [tilespmem:s2], [sflag:$0x1], $0xA800, s1, s0, $0x38;
	[tilespmem:$0xB400] =	vst v63  }
0x14f: {  	s31 =	simm.s32 $0x2400;
	s15 =	simm.s32 $0x3000;
	s0 =	simm.s32 @!p1 $0x1  }
0x150: {  	s16 =	simm.s32 $0x3600;
	s18 =	simm.s32 $0x3C00;
	_ =	swait.ge @!p1 [sflag:s0], $0xA800  }
0x151: {  	s30 =	simm.s32 $0x4200;
	s14 =	simm.s32 $0x4800;
	s8 =	rddreg [dreg:$0xc]  }
0x152: {  	s19 =	simm.s32 $0x5400;
	[sflag:s0] =	ssyncset.done @!p1 $0x0;
	s2 =	rddreg [dreg:$0x10]  }
0x153: {  	s7 =	simm.s32 $0x2A00;
	s6 =	rddreg [dreg:$0x11];
	[sflag:s0] =	ssyncadd.s32 @!p1 $0xFFFF5800  }
0x154: {  	s5 =	simm.s32 $0x1200;
	s22 =	simm.s32 $0x1800;
	s12 =	rddreg [dreg:$0x0]  }
0x155: {  	s26 =	simm.s32 $0x4E00;
	s4 =	simm.s32 $0x0;
	s21 =	rddreg [dreg:$0x1]  }
.LBB2_8:
0x156: {  	s0 =	smul.u32 $0x48, s4;
	_ =	sdelay $0x1  }
0x157: {  	s1 =	sshll.u32 s4, $0xE;
	s0 =	sor.u32 s8, s0  }
0x158: {  	s1 =	sadd.s32 s1, s2;
	s0 =	sshll.u32 s0, $0x12  }
0x159: {  	s0 =	sadd.s32 s0, s1  }
0x15a: {  	s0 =	sshrl.u32 s0, $0x3  }
0x15b: {  	s0 =	sadd.s32 s12, s0  }
0x15c: {  	[tilespmem:s13], [sflag:$0x2] =	stream.strided.gather [hbm4b:s0+s23], $0x600, s24, s23, $0x38;
	[tilespmem:$0xB400] =	vst v63  }
0x15d: {  	s28 =	sadd.s32 $0x200, s0  }
0x15e: {  	[tilespmem:s20], [sflag:$0x2] =	stream.strided.gather [hbm4b:s28+s23], $0x600, s24, s23, $0x38;
	[tilespmem:$0xB400] =	vst v63  }
0x15f: {  	s25 =	sadd.s32 $0x400, s0  }
0x160: {  	[tilespmem:s9], [sflag:$0x2] =	stream.strided.gather [hbm4b:s25+s23], $0x600, s24, s23, $0x38;
	[tilespmem:$0xB400] =	vst v63  }
0x161: {  	s28 =	sadd.s32 $0x600, s0  }
0x162: {  	[tilespmem:s5], [sflag:$0x2] =	stream.strided.gather [hbm4b:s28+s23], $0x600, s24, s23, $0x38;
	[tilespmem:$0xB400] =	vst v63  }
0x163: {  	s25 =	sadd.s32 $0x800, s0  }
0x164: {  	[tilespmem:s22], [sflag:$0x2] =	stream.strided.gather [hbm4b:s25+s23], $0x600, s24, s23, $0x38;
	[tilespmem:$0xB400] =	vst v63  }
0x165: {  	s28 =	sadd.s32 $0xA00, s0  }
0x166: {  	[tilespmem:s29], [sflag:$0x2] =	stream.strided.gather [hbm4b:s28+s23], $0x600, s24, s23, $0x38;
	[tilespmem:$0xB400] =	vst v63  }
0x167: {  	s25 =	sadd.s32 $0xC00, s0  }
0x168: {  	[tilespmem:s31], [sflag:$0x2] =	stream.strided.gather [hbm4b:s25+s23], $0x600, s24, s23, $0x38;
	[tilespmem:$0xB400] =	vst v63  }
0x169: {  	s28 =	sadd.s32 $0xE00, s0  }
0x16a: {  	[tilespmem:s7], [sflag:$0x2] =	stream.strided.gather [hbm4b:s28+s23], $0x600, s24, s23, $0x38;
	[tilespmem:$0xB400] =	vst v63  }
0x16b: {  	s25 =	sadd.s32 $0x1000, s0  }
0x16c: {  	[tilespmem:s15], [sflag:$0x2] =	stream.strided.gather [hbm4b:s25+s23], $0x600, s24, s23, $0x38;
	[tilespmem:$0xB400] =	vst v63  }
0x16d: {  	s28 =	sadd.s32 $0x1200, s0  }
0x16e: {  	[tilespmem:s16], [sflag:$0x2] =	stream.strided.gather [hbm4b:s28+s23], $0x600, s24, s23, $0x38;
	[tilespmem:$0xB400] =	vst v63  }
0x16f: {  	s25 =	sadd.s32 $0x1400, s0  }
0x170: {  	[tilespmem:s18], [sflag:$0x2] =	stream.strided.gather [hbm4b:s25+s23], $0x600, s24, s23, $0x38;
	[tilespmem:$0xB400] =	vst v63  }
0x171: {  	s28 =	sadd.s32 $0x1600, s0  }
0x172: {  	[tilespmem:s30], [sflag:$0x2] =	stream.strided.gather [hbm4b:s28+s23], $0x600, s24, s23, $0x38;
	[tilespmem:$0xB400] =	vst v63  }
0x173: {  	s25 =	sadd.s32 $0x1800, s0  }
0x174: {  	[tilespmem:s14], [sflag:$0x2] =	stream.strided.gather [hbm4b:s25+s23], $0x600, s24, s23, $0x38;
	[tilespmem:$0xB400] =	vst v63  }
0x175: {  	s28 =	sadd.s32 $0x1A00, s0  }
0x176: {  	[tilespmem:s26], [sflag:$0x2] =	stream.strided.gather [hbm4b:s28+s23], $0x600, s24, s23, $0x38;
	[tilespmem:$0xB400] =	vst v63  }
0x177: {  	s0 =	sadd.s32 $0x1C00, s0;
	s25 =	sand.u32 $0x1, s4  }
0x178: {  	[tilespmem:s19], [sflag:$0x2] =	stream.strided.gather [hbm4b:s0+s23], $0x600, s24, s23, $0x38;
	[tilespmem:$0xB400] =	vst v63  }
0x179: {  	p5 =	seq.s32 s25, $0x1;
	s0 =	simm.s32 $0x1C4  }
0x17a: {  	s0 =	simm.s32 @!p5 $0x0  }
0x17b: {  	s0 =	sadd.s32 s3, s0  }
0x17c: {  	s0 =	sshll.u32 s0, $0xF  }
0x17d: {  	_ =	swait.ge [sflag:s10], $0x5A00;
	s0 =	sadd.s32 s0, s6  }
0x17e: {  	[sflag:s10] =	ssyncset.done $0x0;
	s0 =	sshrl.u32 s0, $0x3  }
0x17f: {  	[sflag:s10] =	ssyncadd.s32 $0xFFFFA600;
	s0 =	sadd.s32 s21, s0  }
0x180: {  	[hbm4b:s0+s23] =	stream.strided.scatter [tilespmem:s13], [sflag:$0x1], $0x600, s24, s23, $0x38;
	[tilespmem:$0xB400] =	vst v63  }
0x181: {  	s28 =	sadd.s32 $0x1000, s0  }
0x182: {  	[hbm4b:s28+s23] =	stream.strided.scatter [tilespmem:s20], [sflag:$0x1], $0x600, s24, s23, $0x38;
	[tilespmem:$0xB400] =	vst v63  }
0x183: {  	s4 =	sadd.s32 $0x2000, s0  }
0x184: {  	[hbm4b:s4+s23] =	stream.strided.scatter [tilespmem:s9], [sflag:$0x1], $0x600, s24, s23, $0x38;
	[tilespmem:$0xB400] =	vst v63  }
0x185: {  	s25 =	sadd.s32 $0x3000, s0  }
0x186: {  	[hbm4b:s25+s23] =	stream.strided.scatter [tilespmem:s5], [sflag:$0x1], $0x600, s24, s23, $0x38;
	[tilespmem:$0xB400] =	vst v63  }
0x187: {  	s28 =	sadd.s32 $0x4000, s0  }
0x188: {  	[hbm4b:s28+s23] =	stream.strided.scatter [tilespmem:s22], [sflag:$0x1], $0x600, s24, s23, $0x38;
	[tilespmem:$0xB400] =	vst v63  }
0x189: {  	s4 =	sadd.s32 $0x5000, s0  }
0x18a: {  	[hbm4b:s4+s23] =	stream.strided.scatter [tilespmem:s29], [sflag:$0x1], $0x600, s24, s23, $0x38;
	[tilespmem:$0xB400] =	vst v63  }
0x18b: {  	s25 =	sadd.s32 $0x6000, s0  }
0x18c: {  	[hbm4b:s25+s23] =	stream.strided.scatter [tilespmem:s31], [sflag:$0x1], $0x600, s24, s23, $0x38;
	[tilespmem:$0xB400] =	vst v63  }
0x18d: {  	s28 =	sadd.s32 $0x7000, s0  }
0x18e: {  	[hbm4b:s28+s23] =	stream.strided.scatter [tilespmem:s7], [sflag:$0x1], $0x600, s24, s23, $0x38;
	[tilespmem:$0xB400] =	vst v63  }
0x18f: {  	s4 =	sadd.s32 $0x8000, s0  }
0x190: {  	[hbm4b:s4+s23] =	stream.strided.scatter [tilespmem:s15], [sflag:$0x1], $0x600, s24, s23, $0x38;
	[tilespmem:$0xB400] =	vst v63  }
0x191: {  	s25 =	sadd.s32 $0x9000, s0  }
0x192: {  	[hbm4b:s25+s23] =	stream.strided.scatter [tilespmem:s16], [sflag:$0x1], $0x600, s24, s23, $0x38;
	[tilespmem:$0xB400] =	vst v63  }
0x193: {  	s28 =	sadd.s32 $0xA000, s0  }
0x194: {  	[hbm4b:s28+s23] =	stream.strided.scatter [tilespmem:s18], [sflag:$0x1], $0x600, s24, s23, $0x38;
	[tilespmem:$0xB400] =	vst v63  }
0x195: {  	s4 =	sadd.s32 $0xB000, s0  }
0x196: {  	[hbm4b:s4+s23] =	stream.strided.scatter [tilespmem:s30], [sflag:$0x1], $0x600, s24, s23, $0x38;
	[tilespmem:$0xB400] =	vst v63  }
0x197: {  	s25 =	sadd.s32 $0xC000, s0  }
0x198: {  	[hbm4b:s25+s23] =	stream.strided.scatter [tilespmem:s14], [sflag:$0x1], $0x600, s24, s23, $0x38;
	[tilespmem:$0xB400] =	vst v63  }
0x199: {  	p5 =	por p4, p4;
	s28 =	sadd.s32 $0xD000, s0  }
0x19a: {  	[hbm4b:s28+s23] =	stream.strided.scatter [tilespmem:s26], [sflag:$0x1], $0x600, s24, s23, $0x38;
	[tilespmem:$0xB400] =	vst v63  }
.Ltmp3:
0x19b: {  	s0 =	sadd.s32 $0xE000, s0;
	s4 =	simm.s32 $0x1;
	(pc) =	sbr.rel @p5 .LBB2_8-.Ltmp3, $4  }
0x19c: {  	[hbm4b:s0+s23] =	stream.strided.scatter [tilespmem:s19], [sflag:$0x1], $0x600, s24, s23, $0x38;
	[tilespmem:$0xB400] =	vst v63  }
0x19d: {  	_ =	swait.ge [sflag:s4], $0x5A00  }
0x19e: {  	[sflag:s4] =	ssyncset.done $0x0  }
0x19f: {  	p4 =	por $0x0, $0x0;
	[sflag:s4] =	ssyncadd.s32 $0xFFFFA600  }
0x1a0: {  	s7 =	rddreg [dreg:$0x12]  }
0x1a1: {  	s4 =	simm.s32 $0x0;
	p4 =	por $0x1, $0x1;
	s15 =	rddreg [dreg:$0x13]  }
0x1a2: {  	s14 =	simm.s32 $0x100;
	s2 =	simm.s32 $0x200;
	s26 =	simm.s32 $0x400  }
0x1a3: {  	s30 =	simm.s32 $0x500;
	s16 =	simm.s32 $0x700;
	s18 =	simm.s32 $0x800  }
0x1a4: {  	s6 =	simm.s32 $0xA00;
	s28 =	simm.s32 $0xB00;
	s19 =	smov.u32 s8  }
0x1a5: {  	s12 =	simm.s32 $0xC00;
	s9 =	simm.s32 $0x600;
	s20 =	simm.s32 $0xD00  }
0x1a6: {  	s8 =	simm.s32 $0x300;
	s25 =	simm.s32 $0x0;
	s13 =	smov.u32 s3  }
0x1a7: {  	s3 =	simm.s32 $0x900;
	s21 =	simm.s32 $0x2;
	s10 =	simm.s32 $0xE00  }
.LBB2_10:
0x1a8: {  	s0 =	smul.u32 $0x48, s4;
	_ =	sdelay $0x1  }
0x1a9: {  	s1 =	sshll.u32 s4, $0xE;
	s0 =	sor.u32 s19, s0  }
0x1aa: {  	s1 =	sadd.s32 s1, s7;
	s0 =	sshll.u32 s0, $0x12  }
0x1ab: {  	s0 =	sadd.s32 s0, s1  }
0x1ac: {  	s1 =	rddreg [dreg:$0x0];
	s0 =	sshrl.u32 s0, $0x3  }
0x1ad: {  	s0 =	sadd.s32 s1, s0  }
0x1ae: {  	[tilespmem:s25], [sflag:$0x2] =	stream.strided.gather [hbm4b:s0+s17], $0x100, s24, s17, $0x38;
	[tilespmem:$0xB400] =	vst v63  }
0x1af: {  	s1 =	sadd.s32 $0x200, s0  }
0x1b0: {  	[tilespmem:s14], [sflag:$0x2] =	stream.strided.gather [hbm4b:s1+s17], $0x100, s24, s17, $0x38;
	[tilespmem:$0xB400] =	vst v63  }
0x1b1: {  	s1 =	sadd.s32 $0x400, s0  }
0x1b2: {  	[tilespmem:s2], [sflag:$0x2] =	stream.strided.gather [hbm4b:s1+s17], $0x100, s24, s17, $0x38;
	[tilespmem:$0xB400] =	vst v63  }
0x1b3: {  	s1 =	sadd.s32 $0x600, s0  }
0x1b4: {  	[tilespmem:s8], [sflag:$0x2] =	stream.strided.gather [hbm4b:s1+s17], $0x100, s24, s17, $0x38;
	[tilespmem:$0xB400] =	vst v63  }
0x1b5: {  	s1 =	sadd.s32 $0x800, s0  }
0x1b6: {  	[tilespmem:s26], [sflag:$0x2] =	stream.strided.gather [hbm4b:s1+s17], $0x100, s24, s17, $0x38;
	[tilespmem:$0xB400] =	vst v63  }
0x1b7: {  	s1 =	sadd.s32 $0xA00, s0  }
0x1b8: {  	[tilespmem:s30], [sflag:$0x2] =	stream.strided.gather [hbm4b:s1+s17], $0x100, s24, s17, $0x38;
	[tilespmem:$0xB400] =	vst v63  }
0x1b9: {  	s1 =	sadd.s32 $0xC00, s0  }
0x1ba: {  	[tilespmem:s9], [sflag:$0x2] =	stream.strided.gather [hbm4b:s1+s17], $0x100, s24, s17, $0x38;
	[tilespmem:$0xB400] =	vst v63  }
0x1bb: {  	s1 =	sadd.s32 $0xE00, s0  }
0x1bc: {  	[tilespmem:s16], [sflag:$0x2] =	stream.strided.gather [hbm4b:s1+s17], $0x100, s24, s17, $0x38;
	[tilespmem:$0xB400] =	vst v63  }
0x1bd: {  	s1 =	sadd.s32 $0x1000, s0  }
0x1be: {  	[tilespmem:s18], [sflag:$0x2] =	stream.strided.gather [hbm4b:s1+s17], $0x100, s24, s17, $0x38;
	[tilespmem:$0xB400] =	vst v63  }
0x1bf: {  	s1 =	sadd.s32 $0x1200, s0  }
0x1c0: {  	[tilespmem:s3], [sflag:$0x2] =	stream.strided.gather [hbm4b:s1+s17], $0x100, s24, s17, $0x38;
	[tilespmem:$0xB400] =	vst v63  }
0x1c1: {  	s1 =	sadd.s32 $0x1400, s0  }
0x1c2: {  	[tilespmem:s6], [sflag:$0x2] =	stream.strided.gather [hbm4b:s1+s17], $0x100, s24, s17, $0x38;
	[tilespmem:$0xB400] =	vst v63  }
0x1c3: {  	s1 =	sadd.s32 $0x1600, s0  }
0x1c4: {  	[tilespmem:s28], [sflag:$0x2] =	stream.strided.gather [hbm4b:s1+s17], $0x100, s24, s17, $0x38;
	[tilespmem:$0xB400] =	vst v63  }
0x1c5: {  	s1 =	sadd.s32 $0x1800, s0  }
0x1c6: {  	[tilespmem:s12], [sflag:$0x2] =	stream.strided.gather [hbm4b:s1+s17], $0x100, s24, s17, $0x38;
	[tilespmem:$0xB400] =	vst v63  }
0x1c7: {  	s1 =	sadd.s32 $0x1A00, s0  }
0x1c8: {  	[tilespmem:s20], [sflag:$0x2] =	stream.strided.gather [hbm4b:s1+s17], $0x100, s24, s17, $0x38;
	[tilespmem:$0xB400] =	vst v63  }
0x1c9: {  	s0 =	sadd.s32 $0x1C00, s0;
	s1 =	sand.u32 $0x1, s4  }
0x1ca: {  	[tilespmem:s10], [sflag:$0x2] =	stream.strided.gather [hbm4b:s0+s17], $0x100, s24, s17, $0x38;
	[tilespmem:$0xB400] =	vst v63  }
0x1cb: {  	p5 =	seq.s32 s1, $0x1;
	s0 =	simm.s32 $0x1C4  }
0x1cc: {  	s0 =	simm.s32 @!p5 $0x0  }
0x1cd: {  	_ =	swait.ge [sflag:s21], $0xF00;
	s0 =	sadd.s32 s13, s0  }
0x1ce: {  	[sflag:s21] =	ssyncset.done $0x0;
	s0 =	sshll.u32 s0, $0xF  }
0x1cf: {  	[sflag:s21] =	ssyncadd.s32 $0xFFFFF100;
	s0 =	sadd.s32 s0, s15  }
0x1d0: {  	s4 =	rddreg [dreg:$0x1];
	s0 =	sshrl.u32 s0, $0x3  }
0x1d1: {  	s0 =	sadd.s32 s4, s0  }
0x1d2: {  	[hbm4b:s0+s17] =	stream.strided.scatter [tilespmem:s25], [sflag:$0x1], $0x100, s24, s17, $0x38;
	[tilespmem:$0xB400] =	vst v63  }
0x1d3: {  	s1 =	sadd.s32 $0x1000, s0  }
0x1d4: {  	[hbm4b:s1+s17] =	stream.strided.scatter [tilespmem:s14], [sflag:$0x1], $0x100, s24, s17, $0x38;
	[tilespmem:$0xB400] =	vst v63  }
0x1d5: {  	s4 =	sadd.s32 $0x2000, s0  }
0x1d6: {  	[hbm4b:s4+s17] =	stream.strided.scatter [tilespmem:s2], [sflag:$0x1], $0x100, s24, s17, $0x38;
	[tilespmem:$0xB400] =	vst v63  }
0x1d7: {  	s4 =	sadd.s32 $0x3000, s0  }
0x1d8: {  	[hbm4b:s4+s17] =	stream.strided.scatter [tilespmem:s8], [sflag:$0x1], $0x100, s24, s17, $0x38;
	[tilespmem:$0xB400] =	vst v63  }
0x1d9: {  	s4 =	sadd.s32 $0x4000, s0  }
0x1da: {  	[hbm4b:s4+s17] =	stream.strided.scatter [tilespmem:s26], [sflag:$0x1], $0x100, s24, s17, $0x38;
	[tilespmem:$0xB400] =	vst v63  }
0x1db: {  	s4 =	sadd.s32 $0x5000, s0  }
0x1dc: {  	[hbm4b:s4+s17] =	stream.strided.scatter [tilespmem:s30], [sflag:$0x1], $0x100, s24, s17, $0x38;
	[tilespmem:$0xB400] =	vst v63  }
0x1dd: {  	s4 =	sadd.s32 $0x6000, s0  }
0x1de: {  	[hbm4b:s4+s17] =	stream.strided.scatter [tilespmem:s9], [sflag:$0x1], $0x100, s24, s17, $0x38;
	[tilespmem:$0xB400] =	vst v63  }
0x1df: {  	s4 =	sadd.s32 $0x7000, s0  }
0x1e0: {  	[hbm4b:s4+s17] =	stream.strided.scatter [tilespmem:s16], [sflag:$0x1], $0x100, s24, s17, $0x38;
	[tilespmem:$0xB400] =	vst v63  }
0x1e1: {  	s4 =	sadd.s32 $0x8000, s0  }
0x1e2: {  	[hbm4b:s4+s17] =	stream.strided.scatter [tilespmem:s18], [sflag:$0x1], $0x100, s24, s17, $0x38;
	[tilespmem:$0xB400] =	vst v63  }
0x1e3: {  	s4 =	sadd.s32 $0x9000, s0  }
0x1e4: {  	[hbm4b:s4+s17] =	stream.strided.scatter [tilespmem:s3], [sflag:$0x1], $0x100, s24, s17, $0x38;
	[tilespmem:$0xB400] =	vst v63  }
0x1e5: {  	s4 =	sadd.s32 $0xA000, s0  }
0x1e6: {  	[hbm4b:s4+s17] =	stream.strided.scatter [tilespmem:s6], [sflag:$0x1], $0x100, s24, s17, $0x38;
	[tilespmem:$0xB400] =	vst v63  }
0x1e7: {  	s4 =	sadd.s32 $0xB000, s0  }
0x1e8: {  	[hbm4b:s4+s17] =	stream.strided.scatter [tilespmem:s28], [sflag:$0x1], $0x100, s24, s17, $0x38;
	[tilespmem:$0xB400] =	vst v63  }
0x1e9: {  	s4 =	sadd.s32 $0xC000, s0  }
0x1ea: {  	[hbm4b:s4+s17] =	stream.strided.scatter [tilespmem:s12], [sflag:$0x1], $0x100, s24, s17, $0x38;
	[tilespmem:$0xB400] =	vst v63  }
0x1eb: {  	p5 =	por p4, p4;
	s4 =	sadd.s32 $0xD000, s0  }
0x1ec: {  	[hbm4b:s4+s17] =	stream.strided.scatter [tilespmem:s20], [sflag:$0x1], $0x100, s24, s17, $0x38;
	[tilespmem:$0xB400] =	vst v63  }
.Ltmp4:
0x1ed: {  	s0 =	sadd.s32 $0xE000, s0;
	s4 =	simm.s32 $0x1;
	(pc) =	sbr.rel @p5 .LBB2_10-.Ltmp4, $4  }
0x1ee: {  	[hbm4b:s0+s17] =	stream.strided.scatter [tilespmem:s10], [sflag:$0x1], $0x100, s24, s17, $0x38;
	[tilespmem:$0xB400] =	vst v63  }
0x1ef: {  	_ =	swait.ge [sflag:s4], $0xF00  }
0x1f0: {  	[sflag:s4] =	ssyncset.done $0x0  }
0x1f1: {  	p4 =	por $0x0, $0x0;
	[sflag:s4] =	ssyncadd.s32 $0xFFFFF100  }
0x1f2: {  	s4 =	simm.s32 $0x0;
	p4 =	por $0x1, $0x1;
	s7 =	simm.s32 $0x2A00  }
0x1f3: {  	s6 =	simm.s32 $0x300;
	s8 =	simm.s32 $0x900;
	s30 =	rddreg [dreg:$0x3]  }
0x1f4: {  	s3 =	smov.u32 s13;
	s13 =	simm.s32 $0x0;
	s26 =	rddreg [dreg:$0xd]  }
0x1f5: {  	s20 =	simm.s32 $0x600;
	s9 =	simm.s32 $0xC00;
	s21 =	rddreg [dreg:$0xe]  }
0x1f6: {  	s10 =	simm.s32 $0x2;
	s12 =	simm.s32 $0xF00;
	s25 =	rddreg [dreg:$0xf]  }
0x1f7: {  	s14 =	simm.s32 $0x1500;
	s15 =	simm.s32 $0x1B00;
	s2 =	rddreg [dreg:$0x0]  }
0x1f8: {  	s16 =	simm.s32 $0x2100;
	s18 =	simm.s32 $0x2700;
	s28 =	rddreg [dreg:$0x1]  }
.LBB2_12:
0x1f9: {  	s0 =	smul.u32 $0x48, s4;
	_ =	sdelay $0x1  }
0x1fa: {  	s1 =	sshll.u32 s4, $0xE;
	s0 =	sadd.s32 s0, s26  }
0x1fb: {  	s1 =	sadd.s32 s30, s1;
	s0 =	sshll.u32 s0, $0x12  }
0x1fc: {  	s0 =	sor.u32 s1, s0  }
0x1fd: {  	s0 =	sor.u32 s21, s0  }
0x1fe: {  	s0 =	sshrl.u32 s0, $0x3  }
0x1ff: {  	s0 =	sadd.s32 s2, s0  }
0x200: {  	[tilespmem:s13], [sflag:$0x2] =	stream.strided.gather [hbm4b:s0+s11], $0x300, s24, s11, $0x38;
	[tilespmem:$0xB400] =	vst v63  }
0x201: {  	s19 =	sadd.s32 $0x200, s0  }
0x202: {  	[tilespmem:s6], [sflag:$0x2] =	stream.strided.gather [hbm4b:s19+s11], $0x300, s24, s11, $0x38;
	[tilespmem:$0xB400] =	vst v63  }
0x203: {  	s19 =	sadd.s32 $0x400, s0  }
0x204: {  	[tilespmem:s20], [sflag:$0x2] =	stream.strided.gather [hbm4b:s19+s11], $0x300, s24, s11, $0x38;
	[tilespmem:$0xB400] =	vst v63  }
0x205: {  	s19 =	sadd.s32 $0x600, s0  }
0x206: {  	[tilespmem:s8], [sflag:$0x2] =	stream.strided.gather [hbm4b:s19+s11], $0x300, s24, s11, $0x38;
	[tilespmem:$0xB400] =	vst v63  }
0x207: {  	s19 =	sadd.s32 $0x800, s0  }
0x208: {  	[tilespmem:s9], [sflag:$0x2] =	stream.strided.gather [hbm4b:s19+s11], $0x300, s24, s11, $0x38;
	[tilespmem:$0xB400] =	vst v63  }
0x209: {  	s19 =	sadd.s32 $0xA00, s0  }
0x20a: {  	[tilespmem:s12], [sflag:$0x2] =	stream.strided.gather [hbm4b:s19+s11], $0x300, s24, s11, $0x38;
	[tilespmem:$0xB400] =	vst v63  }
0x20b: {  	s19 =	sadd.s32 $0xC00, s0  }
0x20c: {  	[tilespmem:s5], [sflag:$0x2] =	stream.strided.gather [hbm4b:s19+s11], $0x300, s24, s11, $0x38;
	[tilespmem:$0xB400] =	vst v63  }
0x20d: {  	s19 =	sadd.s32 $0xE00, s0  }
0x20e: {  	[tilespmem:s14], [sflag:$0x2] =	stream.strided.gather [hbm4b:s19+s11], $0x300, s24, s11, $0x38;
	[tilespmem:$0xB400] =	vst v63  }
0x20f: {  	s19 =	sadd.s32 $0x1000, s0  }
0x210: {  	[tilespmem:s22], [sflag:$0x2] =	stream.strided.gather [hbm4b:s19+s11], $0x300, s24, s11, $0x38;
	[tilespmem:$0xB400] =	vst v63  }
0x211: {  	s19 =	sadd.s32 $0x1200, s0  }
0x212: {  	[tilespmem:s15], [sflag:$0x2] =	stream.strided.gather [hbm4b:s19+s11], $0x300, s24, s11, $0x38;
	[tilespmem:$0xB400] =	vst v63  }
0x213: {  	s19 =	sadd.s32 $0x1400, s0  }
0x214: {  	[tilespmem:s29], [sflag:$0x2] =	stream.strided.gather [hbm4b:s19+s11], $0x300, s24, s11, $0x38;
	[tilespmem:$0xB400] =	vst v63  }
0x215: {  	s19 =	sadd.s32 $0x1600, s0  }
0x216: {  	[tilespmem:s16], [sflag:$0x2] =	stream.strided.gather [hbm4b:s19+s11], $0x300, s24, s11, $0x38;
	[tilespmem:$0xB400] =	vst v63  }
0x217: {  	s19 =	sadd.s32 $0x1800, s0  }
0x218: {  	[tilespmem:s31], [sflag:$0x2] =	stream.strided.gather [hbm4b:s19+s11], $0x300, s24, s11, $0x38;
	[tilespmem:$0xB400] =	vst v63  }
0x219: {  	s19 =	sadd.s32 $0x1A00, s0  }
0x21a: {  	[tilespmem:s18], [sflag:$0x2] =	stream.strided.gather [hbm4b:s19+s11], $0x300, s24, s11, $0x38;
	[tilespmem:$0xB400] =	vst v63  }
0x21b: {  	s4 =	sand.u32 $0x1, s4;
	s0 =	sadd.s32 $0x1C00, s0  }
0x21c: {  	[tilespmem:s7], [sflag:$0x2] =	stream.strided.gather [hbm4b:s0+s11], $0x300, s24, s11, $0x38;
	[tilespmem:$0xB400] =	vst v63  }
0x21d: {  	p5 =	seq.s32 s4, $0x1;
	s0 =	simm.s32 $0x1C4  }
0x21e: {  	s0 =	simm.s32 @!p5 $0x0  }
0x21f: {  	s0 =	sadd.s32 s3, s0  }
0x220: {  	s0 =	sshll.u32 s0, $0xF  }
0x221: {  	_ =	swait.ge [sflag:s10], $0x2D00;
	s0 =	sadd.s32 s0, s25  }
0x222: {  	[sflag:s10] =	ssyncset.done $0x0;
	s0 =	sshrl.u32 s0, $0x3  }
0x223: {  	[sflag:s10] =	ssyncadd.s32 $0xFFFFD300;
	s0 =	sadd.s32 s28, s0  }
0x224: {  	[hbm4b:s0+s11] =	stream.strided.scatter [tilespmem:s13], [sflag:$0x1], $0x300, s24, s11, $0x38;
	[tilespmem:$0xB400] =	vst v63  }
0x225: {  	s19 =	sadd.s32 $0x1000, s0  }
0x226: {  	[hbm4b:s19+s11] =	stream.strided.scatter [tilespmem:s6], [sflag:$0x1], $0x300, s24, s11, $0x38;
	[tilespmem:$0xB400] =	vst v63  }
0x227: {  	s4 =	sadd.s32 $0x2000, s0  }
0x228: {  	[hbm4b:s4+s11] =	stream.strided.scatter [tilespmem:s20], [sflag:$0x1], $0x300, s24, s11, $0x38;
	[tilespmem:$0xB400] =	vst v63  }
0x229: {  	s19 =	sadd.s32 $0x3000, s0  }
0x22a: {  	[hbm4b:s19+s11] =	stream.strided.scatter [tilespmem:s8], [sflag:$0x1], $0x300, s24, s11, $0x38;
	[tilespmem:$0xB400] =	vst v63  }
0x22b: {  	s4 =	sadd.s32 $0x4000, s0  }
0x22c: {  	[hbm4b:s4+s11] =	stream.strided.scatter [tilespmem:s9], [sflag:$0x1], $0x300, s24, s11, $0x38;
	[tilespmem:$0xB400] =	vst v63  }
0x22d: {  	s19 =	sadd.s32 $0x5000, s0  }
0x22e: {  	[hbm4b:s19+s11] =	stream.strided.scatter [tilespmem:s12], [sflag:$0x1], $0x300, s24, s11, $0x38;
	[tilespmem:$0xB400] =	vst v63  }
0x22f: {  	s4 =	sadd.s32 $0x6000, s0  }
0x230: {  	[hbm4b:s4+s11] =	stream.strided.scatter [tilespmem:s5], [sflag:$0x1], $0x300, s24, s11, $0x38;
	[tilespmem:$0xB400] =	vst v63  }
0x231: {  	s19 =	sadd.s32 $0x7000, s0  }
0x232: {  	[hbm4b:s19+s11] =	stream.strided.scatter [tilespmem:s14], [sflag:$0x1], $0x300, s24, s11, $0x38;
	[tilespmem:$0xB400] =	vst v63  }
0x233: {  	s4 =	sadd.s32 $0x8000, s0  }
0x234: {  	[hbm4b:s4+s11] =	stream.strided.scatter [tilespmem:s22], [sflag:$0x1], $0x300, s24, s11, $0x38;
	[tilespmem:$0xB400] =	vst v63  }
0x235: {  	s19 =	sadd.s32 $0x9000, s0  }
0x236: {  	[hbm4b:s19+s11] =	stream.strided.scatter [tilespmem:s15], [sflag:$0x1], $0x300, s24, s11, $0x38;
	[tilespmem:$0xB400] =	vst v63  }
0x237: {  	s4 =	sadd.s32 $0xA000, s0  }
0x238: {  	[hbm4b:s4+s11] =	stream.strided.scatter [tilespmem:s29], [sflag:$0x1], $0x300, s24, s11, $0x38;
	[tilespmem:$0xB400] =	vst v63  }
0x239: {  	s19 =	sadd.s32 $0xB000, s0  }
0x23a: {  	[hbm4b:s19+s11] =	stream.strided.scatter [tilespmem:s16], [sflag:$0x1], $0x300, s24, s11, $0x38;
	[tilespmem:$0xB400] =	vst v63  }
0x23b: {  	s4 =	sadd.s32 $0xC000, s0  }
0x23c: {  	[hbm4b:s4+s11] =	stream.strided.scatter [tilespmem:s31], [sflag:$0x1], $0x300, s24, s11, $0x38;
	[tilespmem:$0xB400] =	vst v63  }
0x23d: {  	p5 =	por p4, p4;
	s19 =	sadd.s32 $0xD000, s0  }
0x23e: {  	[hbm4b:s19+s11] =	stream.strided.scatter [tilespmem:s18], [sflag:$0x1], $0x300, s24, s11, $0x38;
	[tilespmem:$0xB400] =	vst v63  }
.Ltmp5:
0x23f: {  	s0 =	sadd.s32 $0xE000, s0;
	s4 =	simm.s32 $0x1;
	(pc) =	sbr.rel @p5 .LBB2_12-.Ltmp5, $4  }
0x240: {  	[hbm4b:s0+s11] =	stream.strided.scatter [tilespmem:s7], [sflag:$0x1], $0x300, s24, s11, $0x38;
	[tilespmem:$0xB400] =	vst v63  }
0x241: {  	_ =	swait.ge [sflag:s4], $0x2D00  }
0x242: {  	[sflag:s4] =	ssyncset.done $0x0  }
0x243: {  	p4 =	por $0x0, $0x0;
	[sflag:s4] =	ssyncadd.s32 $0xFFFFD300  }
0x244: {  	s0 =	simm.s32 @!p0 $0x800  }
0x245: {  	s1 =	simm.s32 @!p0 $0x1000;
	s2 =	simm.s32 @!p0 $0x0;
	s4 =	rddreg [dreg:$0x4]  }
0x246: {  	[tilespmem:s2], [sflag:$0x2] =	stream.strided.gather @!p0 [hbm4b:s4+s0], $0x7800, s1, s0, $0x38;
	[tilespmem:$0xB400] =	vst v63  }
0x247: {  	s1 =	simm.s32 @!p0 $0x2  }
0x248: {  	_ =	swait.ge @!p0 [sflag:s1], $0x7800  }
0x249: {  	[sflag:s1] =	ssyncset.done @!p0 $0x0  }
0x24a: {  	s4 =	rddreg [dreg:$0x14];
	[sflag:s1] =	ssyncadd.s32 @!p0 $0xFFFF8800;
	s1 =	simm.s32 @!p0 $0x8000  }
0x24b: {  	[hbm4b:s4+s0] =	stream.strided.scatter @!p0 [tilespmem:s2], [sflag:$0x1], $0x7800, s1, s0, $0x38;
	[tilespmem:$0xB400] =	vst v63  }
0x24c: {  	s0 =	simm.s32 @!p0 $0x1  }
0x24d: {  	_ =	swait.ge @!p0 [sflag:s0], $0x7800  }
0x24e: {  	s1 =	simm.s32 @!p3 $0x1000;
	s2 =	simm.s32 @!p3 $0x0;
	[sflag:s0] =	ssyncset.done @!p0 $0x0  }
0x24f: {  	s4 =	rddreg [dreg:$0x9];
	[sflag:s0] =	ssyncadd.s32 @!p0 $0xFFFF8800;
	s0 =	simm.s32 @!p3 $0xC00  }
0x250: {  	[tilespmem:s2], [sflag:$0x2] =	stream.strided.gather @!p3 [hbm4b:s4+s0], $0xB400, s1, s0, $0x38;
	[tilespmem:$0xB400] =	vst v63  }
0x251: {  	s1 =	simm.s32 @!p3 $0x2  }
0x252: {  	_ =	swait.ge @!p3 [sflag:s1], $0xB400  }
0x253: {  	[sflag:s1] =	ssyncset.done @!p3 $0x0  }
0x254: {  	s4 =	rddreg [dreg:$0x15];
	[sflag:s1] =	ssyncadd.s32 @!p3 $0xFFFF4C00;
	s1 =	simm.s32 @!p3 $0x8000  }
0x255: {  	[hbm4b:s4+s0] =	stream.strided.scatter @!p3 [tilespmem:s2], [sflag:$0x1], $0xB400, s1, s0, $0x38;
	[tilespmem:$0xB400] =	vst v63  }
0x256: {  	s0 =	simm.s32 @!p3 $0x1  }
0x257: {  	_ =	swait.ge @!p3 [sflag:s0], $0xB400  }
0x258: {  	s29 =	sld [smem:$0x7FA];
	_ =	sdelay $0x2  }
0x259: {  	s30 =	rddreg [dreg:$0x16];
	s2 =	sadd.s32 $0x1, s29  }
0x25a: {  	p4 =	sne.s32 s2, s30  }
.Ltmp6:
0x25b: {  	_ = 	snop;
	(pc) =	sbr.rel @p4 .LBB2_1-.Ltmp6, $3  }
0x25c: {  	_ =	sdelay $0x1  }
0x25d: {  	[sflag:s0] =	ssyncset.done @!p3 $0x0  }
0x25e: {  	s31 =	rddreg [dreg:$0x1e];
	[sflag:s0] =	ssyncadd.s32 @!p3 $0xFFFF4C00  }
0x25f: {  	_ =	sfence.sel $0x180000  }
0x260: {  	[bflag:$0x0] =	sbarrier.arrive $0xFFFF  }
0x261: {  	_ =	strace $0x90000047  }
0x262: {  	s0 =	stileid.u32;
	[bflag:$0x2] =	sbarrier.arrive $0xFFFF  }
0x263: {  	p0 =	sne.s32 s0, $0x0;
	s0 =	rddreg [dreg:$0x2]  }
0x264: {  	s0 =	sadd.s32 @!p0 $0x100000, s0  }
0x265: {  	[sflag:s0] =	ssyncadd.tile.s32 @!p0 $0x1;
	_ =	shalt  }
.Lfunc_end2:
_tile_overlayer_lowered:
.L_overlay_start_2:
0x266: {  	(tag) =	ssettag $0x2  }
0x267: {  	s0 =	rddreg [dreg:$0x0];
	s2 =	stileid.u32  }
0x268: {  	s1 =	rddreg [dreg:$0x1];
	p0 =	sne.s32 s2, $0x0  }
0x269: {  	s3 =	rddreg [dreg:$0x2];
	[bflag:$0x3] =	sbarrier.arrive $0xFFFF;
	s2 =	simm.s32 @!p0 $0x1C01  }
0x26a: {  	[timem:s3], [sflag:s2] =	dma.local @!p0 [hbm:s0], s1  }
0x26b: {  	s0 =	simm.s32 @!p0 $0x1  }
0x26c: {  	_ =	swait.ge @!p0 [sflag:s0], s1  }
0x26d: {  	s1 =	ssub.s32 @!p0 $0x0, s1;
	[sflag:s0] =	ssyncset.done @!p0 $0x0  }
0x26e: {  	[sflag:s0] =	ssyncadd.s32 @!p0 s1  }
0x26f: {  	[bflag:$0x3] =	sbarrier.arrive $0xFFFF  }
0x270: {  	_ =	shalt  }

</sc_bundles>
